<compile_context>
chip_gen: v7x
topology: tpu7x:2x2x1
jax: 0.10.2.dev20260603
libtpu: 0.0.44.dev20260713+nightly
codegen_flags: <defaults>
</compile_context>

<pallas_src>
import functools

import jax
import jax.numpy as jnp
from jax import lax
from jax.experimental import pallas as pl
from jax.experimental.pallas import tpu as pltpu
from jax.experimental.pallas import tpu_sc as plsc

D = 128
W = D // 2
L = 16
NC = 2
NS = 16
NW = NC * NS
CHUNK = 128
NBUF = 2


def _make_sc_call(e_pad):
    cpw = e_pad // (NW * CHUNK)
    epw = cpw * CHUNK
    mesh = plsc.VectorSubcoreMesh(core_axis_name="c", subcore_axis_name="s",
                                  num_cores=NC)

    @functools.partial(
        pl.kernel,
        mesh=mesh,
        compiler_params=pltpu.CompilerParams(needs_layout_passes=False,
                                             use_tc_tiling_on_sc=False),
        out_type=jax.ShapeDtypeStruct((e_pad,), jnp.float32),
        scratch_types=[
            pltpu.VMEM((epw,), jnp.int32),
            pltpu.VMEM((epw,), jnp.int32),
            [pltpu.VMEM((CHUNK, W), jnp.int32) for _ in range(NBUF)],
            [pltpu.VMEM((CHUNK, W), jnp.int32) for _ in range(NBUF)],
            [pltpu.VMEM((CHUNK,), jnp.float32) for _ in range(NBUF)],
            [pltpu.SemaphoreType.DMA for _ in range(NBUF)],
            [pltpu.SemaphoreType.DMA for _ in range(NBUF)],
        ],
    )
    def sc_call(src_hbm, dst_hbm, xu_hbm, xc_hbm, out_hbm,
                src_v, dst_v, u_v, c_v, o_v, sems, osems):
        wid = lax.axis_index("s") * NC + lax.axis_index("c")
        e0 = pl.multiple_of(wid * epw, CHUNK)
        pltpu.sync_copy(src_hbm.at[pl.ds(e0, epw)], src_v)
        pltpu.sync_copy(dst_hbm.at[pl.ds(e0, epw)], dst_v)

        def issue(ch, b):
            off = pl.multiple_of(ch * CHUNK, CHUNK)
            pltpu.async_copy(xu_hbm.at[src_v.at[pl.ds(off, CHUNK)]],
                             u_v[b], sems[b])
            pltpu.async_copy(xc_hbm.at[dst_v.at[pl.ds(off, CHUNK)]],
                             c_v[b], sems[b])

        def wait_gather(b):
            pltpu.make_async_copy(
                xu_hbm.at[src_v.at[pl.ds(0, CHUNK)]], u_v[b], sems[b]).wait()
            pltpu.make_async_copy(
                xc_hbm.at[dst_v.at[pl.ds(0, CHUNK)]], c_v[b], sems[b]).wait()

        def wait_out(b):
            pltpu.make_async_copy(
                o_v[b], out_hbm.at[pl.ds(0, CHUNK)], osems[b]).wait()

        lane15 = lax.iota(jnp.int32, L) == (L - 1)

        def compute(b):
            ub, cb = u_v[b], c_v[b]

            def edge_body(e, carry):
                parts = []
                for t in range(W // L):
                    uw = plsc.bitcast(ub[e, pl.ds(t * L, L)], jnp.bfloat16)
                    cw = plsc.bitcast(cb[e, pl.ds(t * L, L)], jnp.bfloat16)
                    pa, pb = plsc.unpack(uw * cw,
                                         format=plsc.PackFormat.INTERLEAVED)
                    parts.append(pa + pb)
                while len(parts) > 1:
                    parts = [x + y for x, y in zip(parts[::2], parts[1::2])]
                s = plsc.cumsum(parts[0])
                plsc.store_scatter(o_v[b], [jnp.full((L,), e, jnp.int32)], s,
                                   mask=lane15)
                return carry

            lax.fori_loop(0, CHUNK, edge_body, 0, unroll=4)

        for b in range(NBUF):
            issue(b, b)

        def outer(it, carry):
            for b in range(NBUF):
                ch = it * NBUF + b
                wait_gather(b)

                @pl.when(it > 0)
                def _():
                    wait_out(b)

                compute(b)

                @pl.when(ch + NBUF < cpw)
                def _():
                    issue(ch + NBUF, b)

                pltpu.async_copy(
                    o_v[b],
                    out_hbm.at[pl.ds(pl.multiple_of(e0 + ch * CHUNK, CHUNK),
                                     CHUNK)],
                    osems[b])
            return carry

        lax.fori_loop(0, cpw // NBUF, outer, 0)
        for b in range(NBUF):
            wait_out(b)

    return sc_call


def kernel(x_user, x_content, edge_label_index):
    e = edge_label_index.shape[1]
    tile = NW * CHUNK * NBUF
    e_pad = ((e + tile - 1) // tile) * tile
    src = edge_label_index[0]
    dst = edge_label_index[1]
    if e_pad != e:
        pad = jnp.zeros((e_pad - e,), jnp.int32)
        src = jnp.concatenate([src, pad])
        dst = jnp.concatenate([dst, pad])
    n = x_user.shape[0]
    xu_p = jax.lax.bitcast_convert_type(
        x_user.astype(jnp.bfloat16).reshape(n, W, 2), jnp.int32)
    xc_p = jax.lax.bitcast_convert_type(
        x_content.astype(jnp.bfloat16).reshape(n, W, 2), jnp.int32)
    out = _make_sc_call(e_pad)(src, dst, xu_p, xc_p)
    return out[:e]

# --- scband reference (transcript-rebuilt; emitter-appended) ---
"""Pipeline reference for scband-classifier-62612033241808 (READ-ONLY COPY).

The authoritative reference and input builder live on the scoring server;
editing this copy changes nothing except your own understanding.
"""

import jax, jax.numpy as jnp
import numpy as np


def setup_inputs(seed: int = 0) -> dict:
    key = jax.random.key(seed)
    k1, k2, k3 = jax.random.split(key, 3)
    x_user = jax.random.normal(k1, (10000, 128), dtype=jnp.float32)
    x_content = jax.random.normal(k2, (10000, 128), dtype=jnp.float32)
    edge_label_index = jax.random.randint(k3, (2, 320000), 0, 10000, dtype=jnp.int32)
    return {"x_user": x_user, "x_content": x_content, "edge_label_index": edge_label_index}


def reference(x_user, x_content, edge_label_index):
    # gather source (user) node features for each labeled edge
    edge_feat_user = jnp.take(x_user, edge_label_index[0], axis=0)
    # gather destination (content) node features for each labeled edge
    edge_feat_content = jnp.take(x_content, edge_label_index[1], axis=0)
    # per-edge dot product score
    return (edge_feat_user * edge_feat_content).sum(axis=-1)

if __name__ == "__main__":
    import jax
    _d = setup_inputs()
    print(jax.jit(kernel)(*tuple(_d.values())))

</pallas_src>

<mosaic_0001>
#map = affine_map<(d0, d1) -> (0)>
#map1 = affine_map<(d0, d1) -> (0, 0)>
module attributes {stable_mosaic.version = 14 : i64} {
  func.func @sc_call(%arg0: i32, %arg1: i32, %arg2: memref<327680xi32, #tpu.memory_space<hbm>>, %arg3: memref<327680xi32, #tpu.memory_space<hbm>>, %arg4: memref<10000x64xi32, #tpu.memory_space<hbm>>, %arg5: memref<10000x64xi32, #tpu.memory_space<hbm>>, %arg6: memref<327680xf32, #tpu.memory_space<hbm>>, %arg7: memref<10240xi32, #tpu.memory_space<vmem>>, %arg8: memref<10240xi32, #tpu.memory_space<vmem>>, %arg9: memref<128x64xi32, #tpu.memory_space<vmem>>, %arg10: memref<128x64xi32, #tpu.memory_space<vmem>>, %arg11: memref<128x64xi32, #tpu.memory_space<vmem>>, %arg12: memref<128x64xi32, #tpu.memory_space<vmem>>, %arg13: memref<128xf32, #tpu.memory_space<vmem>>, %arg14: memref<128xf32, #tpu.memory_space<vmem>>, %arg15: memref<!tpu.dma_semaphore, #tpu.memory_space<semaphore_mem>>, %arg16: memref<!tpu.dma_semaphore, #tpu.memory_space<semaphore_mem>>, %arg17: memref<!tpu.dma_semaphore, #tpu.memory_space<semaphore_mem>>, %arg18: memref<!tpu.dma_semaphore, #tpu.memory_space<semaphore_mem>>) attributes {dimension_semantics = [#tpu.dimension_semantics<core_parallel>, #tpu.dimension_semantics<subcore_parallel>], iteration_bounds = array<i64: 2, 16>, scalar_prefetch = 0 : i64, scratch_operands = 12 : i64, tpu.core_type = #tpu.core_type<sc_vector_subcore>, window_params = [{transform_indices = #map}, {transform_indices = #map}, {transform_indices = #map1}, {transform_indices = #map1}, {transform_indices = #map}]} {
    %mul3A = arith.constant 2 : i32
    %mul3A_0 = arith.muli %arg1, %mul3A : i32
    %add3A = arith.addi %mul3A_0, %arg0 : i32
    %mul3A_1 = arith.constant 10240 : i32
    %mul3A_2 = arith.muli %add3A, %mul3A_1 : i32
    %multiple_of3A = tpu.assume_multiple %mul3A_2, 128 : i32
    "tpu.region"() ({
      %run_scoped3A = tpu.sem_alloc : memref<!tpu.dma_semaphore, #tpu.memory_space<semaphore_mem>>
      %dma_start3A_36 = tpu.memref_slice %arg2[%multiple_of3A] : memref<327680xi32, #tpu.memory_space<hbm>> -> memref<10240xi32, #tpu.memory_space<hbm>>
      %dma_start3A_37 = tpu.memref_slice %arg2[%multiple_of3A] : memref<327680xi32, #tpu.memory_space<hbm>> -> memref<10240xi32, #tpu.memory_space<hbm>>
      tpu.enqueue_dma source(%dma_start3A_37 : memref<10240xi32, #tpu.memory_space<hbm>>) target(%arg7 : memref<10240xi32, #tpu.memory_space<vmem>>) target_semaphore(%run_scoped3A : memref<!tpu.dma_semaphore, #tpu.memory_space<semaphore_mem>>)
      %dma_wait3A_38 = tpu.memref_slice %arg2[%multiple_of3A] : memref<327680xi32, #tpu.memory_space<hbm>> -> memref<10240xi32, #tpu.memory_space<hbm>>
      %dma_wait3A_39 = tpu.memref_slice %arg2[%multiple_of3A] : memref<327680xi32, #tpu.memory_space<hbm>> -> memref<10240xi32, #tpu.memory_space<hbm>>
      tpu.wait_dma2 semaphore(%run_scoped3A : memref<!tpu.dma_semaphore, #tpu.memory_space<semaphore_mem>>) src(%dma_wait3A_39 : memref<10240xi32, #tpu.memory_space<hbm>>) dst(%arg7 : memref<10240xi32, #tpu.memory_space<vmem>>)
      tpu.yield
    }) : () -> ()
    "tpu.region"() ({
      %run_scoped3A = tpu.sem_alloc : memref<!tpu.dma_semaphore, #tpu.memory_space<semaphore_mem>>
      %dma_start3A_36 = tpu.memref_slice %arg3[%multiple_of3A] : memref<327680xi32, #tpu.memory_space<hbm>> -> memref<10240xi32, #tpu.memory_space<hbm>>
      %dma_start3A_37 = tpu.memref_slice %arg3[%multiple_of3A] : memref<327680xi32, #tpu.memory_space<hbm>> -> memref<10240xi32, #tpu.memory_space<hbm>>
      tpu.enqueue_dma source(%dma_start3A_37 : memref<10240xi32, #tpu.memory_space<hbm>>) target(%arg8 : memref<10240xi32, #tpu.memory_space<vmem>>) target_semaphore(%run_scoped3A : memref<!tpu.dma_semaphore, #tpu.memory_space<semaphore_mem>>)
      %dma_wait3A_38 = tpu.memref_slice %arg3[%multiple_of3A] : memref<327680xi32, #tpu.memory_space<hbm>> -> memref<10240xi32, #tpu.memory_space<hbm>>
      %dma_wait3A_39 = tpu.memref_slice %arg3[%multiple_of3A] : memref<327680xi32, #tpu.memory_space<hbm>> -> memref<10240xi32, #tpu.memory_space<hbm>>
      tpu.wait_dma2 semaphore(%run_scoped3A : memref<!tpu.dma_semaphore, #tpu.memory_space<semaphore_mem>>) src(%dma_wait3A_39 : memref<10240xi32, #tpu.memory_space<hbm>>) dst(%arg8 : memref<10240xi32, #tpu.memory_space<vmem>>)
      tpu.yield
    }) : () -> ()
    %iota3A = tpu.iota {dimensions = array<i32: 0>} : vector<16xi32>
    %eq3A = arith.constant 15 : i32
    %eq3A_3 = vector.broadcast %eq3A : i32 to vector<16xi32>
    %eq3A_4 = arith.cmpi eq, %iota3A, %eq3A_3 : vector<16xi32>
    %multiple_of3A_5 = arith.constant 0 : i32
    %multiple_of3A_6 = tpu.assume_multiple %multiple_of3A_5, 128 : i32
    %dma_start3A = tpu.memref_slice %arg7[%multiple_of3A_6] : memref<10240xi32, #tpu.memory_space<vmem>> -> memref<128xi32, #tpu.memory_space<vmem>>
    %dma_start3A_7 = arith.constant 0 : i32
    %dma_start3A_8 = arith.constant 0 : i32
    %dma_start3A_9 = tpu.memref_slice %arg4[%dma_start3A_7, %dma_start3A_8] : memref<10000x64xi32, #tpu.memory_space<hbm>> -> memref<10000x64xi32, #tpu.memory_space<hbm>>
    tpu.enqueue_indirect_dma source(%dma_start3A_9 : memref<10000x64xi32, #tpu.memory_space<hbm>>) target(%arg9 : memref<128x64xi32, #tpu.memory_space<vmem>>) offsets(%dma_start3A : memref<128xi32, #tpu.memory_space<vmem>>) semaphore(%arg15 : memref<!tpu.dma_semaphore, #tpu.memory_space<semaphore_mem>>)
    %dma_start3A_10 = tpu.memref_slice %arg8[%multiple_of3A_6] : memref<10240xi32, #tpu.memory_space<vmem>> -> memref<128xi32, #tpu.memory_space<vmem>>
    %dma_start3A_11 = arith.constant 0 : i32
    %dma_start3A_12 = arith.constant 0 : i32
    %dma_start3A_13 = tpu.memref_slice %arg5[%dma_start3A_11, %dma_start3A_12] : memref<10000x64xi32, #tpu.memory_space<hbm>> -> memref<10000x64xi32, #tpu.memory_space<hbm>>
    tpu.enqueue_indirect_dma source(%dma_start3A_13 : memref<10000x64xi32, #tpu.memory_space<hbm>>) target(%arg11 : memref<128x64xi32, #tpu.memory_space<vmem>>) offsets(%dma_start3A_10 : memref<128xi32, #tpu.memory_space<vmem>>) semaphore(%arg15 : memref<!tpu.dma_semaphore, #tpu.memory_space<semaphore_mem>>)
    %multiple_of3A_14 = arith.constant 128 : i32
    %multiple_of3A_15 = tpu.assume_multiple %multiple_of3A_14, 128 : i32
    %dma_start3A_16 = tpu.memref_slice %arg7[%multiple_of3A_15] : memref<10240xi32, #tpu.memory_space<vmem>> -> memref<128xi32, #tpu.memory_space<vmem>>
    %dma_start3A_17 = arith.constant 0 : i32
    %dma_start3A_18 = arith.constant 0 : i32
    %dma_start3A_19 = tpu.memref_slice %arg4[%dma_start3A_17, %dma_start3A_18] : memref<10000x64xi32, #tpu.memory_space<hbm>> -> memref<10000x64xi32, #tpu.memory_space<hbm>>
    tpu.enqueue_indirect_dma source(%dma_start3A_19 : memref<10000x64xi32, #tpu.memory_space<hbm>>) target(%arg10 : memref<128x64xi32, #tpu.memory_space<vmem>>) offsets(%dma_start3A_16 : memref<128xi32, #tpu.memory_space<vmem>>) semaphore(%arg16 : memref<!tpu.dma_semaphore, #tpu.memory_space<semaphore_mem>>)
    %dma_start3A_20 = tpu.memref_slice %arg8[%multiple_of3A_15] : memref<10240xi32, #tpu.memory_space<vmem>> -> memref<128xi32, #tpu.memory_space<vmem>>
    %dma_start3A_21 = arith.constant 0 : i32
    %dma_start3A_22 = arith.constant 0 : i32
    %dma_start3A_23 = tpu.memref_slice %arg5[%dma_start3A_21, %dma_start3A_22] : memref<10000x64xi32, #tpu.memory_space<hbm>> -> memref<10000x64xi32, #tpu.memory_space<hbm>>
    tpu.enqueue_indirect_dma source(%dma_start3A_23 : memref<10000x64xi32, #tpu.memory_space<hbm>>) target(%arg12 : memref<128x64xi32, #tpu.memory_space<vmem>>) offsets(%dma_start3A_20 : memref<128xi32, #tpu.memory_space<vmem>>) semaphore(%arg16 : memref<!tpu.dma_semaphore, #tpu.memory_space<semaphore_mem>>)
    %scan3A = arith.constant 0 : i32
    %scan3A_24 = arith.constant 0 : i32
    %scan3A_25 = arith.constant 40 : i32
    %scan3A_26 = arith.addi %scan3A_24, %scan3A_25 : i32
    %scan3A_27 = arith.constant 1 : i32
    scf.for %scan3A_36 = %scan3A_24 to %scan3A_26 step %scan3A_27  : i32 {
      %mul3A_37 = arith.constant 2 : i32
      %mul3A_38 = arith.muli %scan3A_36, %mul3A_37 : i32
      %add3A_39 = arith.constant 0 : i32
      %add3A_40 = arith.addi %mul3A_38, %add3A_39 : i32
      %dma_wait3A_41 = arith.constant 0 : i32
      %dma_wait3A_42 = tpu.memref_slice %arg7[%dma_wait3A_41] : memref<10240xi32, #tpu.memory_space<vmem>> -> memref<128xi32, #tpu.memory_space<vmem>>
      %dma_wait3A_43 = arith.constant 0 : i32
      %dma_wait3A_44 = arith.constant 0 : i32
      %dma_wait3A_45 = tpu.memref_slice %arg4[%dma_wait3A_43, %dma_wait3A_44] : memref<10000x64xi32, #tpu.memory_space<hbm>> -> memref<10000x64xi32, #tpu.memory_space<hbm>>
      tpu.wait_indirect_dma semaphore(%arg15 : memref<!tpu.dma_semaphore, #tpu.memory_space<semaphore_mem>>) src(%dma_wait3A_45 : memref<10000x64xi32, #tpu.memory_space<hbm>>) dst(%arg9 : memref<128x64xi32, #tpu.memory_space<vmem>>)
      %dma_wait3A_46 = arith.constant 0 : i32
      %dma_wait3A_47 = tpu.memref_slice %arg8[%dma_wait3A_46] : memref<10240xi32, #tpu.memory_space<vmem>> -> memref<128xi32, #tpu.memory_space<vmem>>
      %dma_wait3A_48 = arith.constant 0 : i32
      %dma_wait3A_49 = arith.constant 0 : i32
      %dma_wait3A_50 = tpu.memref_slice %arg5[%dma_wait3A_48, %dma_wait3A_49] : memref<10000x64xi32, #tpu.memory_space<hbm>> -> memref<10000x64xi32, #tpu.memory_space<hbm>>
      tpu.wait_indirect_dma semaphore(%arg15 : memref<!tpu.dma_semaphore, #tpu.memory_space<semaphore_mem>>) src(%dma_wait3A_50 : memref<10000x64xi32, #tpu.memory_space<hbm>>) dst(%arg11 : memref<128x64xi32, #tpu.memory_space<vmem>>)
      %gt3A = arith.constant 0 : i32
      %gt3A_51 = arith.cmpi sgt, %scan3A_36, %gt3A : i32
      %convert_element_type3A = arith.extui %gt3A_51 : i1 to i32
      %cond3A = arith.constant 0 : i32
      %cond3A_52 = arith.cmpi ne, %convert_element_type3A, %cond3A : i32
      scf.if %cond3A_52 {
        %dma_wait3A_109 = arith.constant 0 : i32
        %dma_wait3A_110 = tpu.memref_slice %arg6[%dma_wait3A_109] : memref<327680xf32, #tpu.memory_space<hbm>> -> memref<128xf32, #tpu.memory_space<hbm>>
        %dma_wait3A_111 = arith.constant 0 : i32
        %dma_wait3A_112 = tpu.memref_slice %arg6[%dma_wait3A_111] : memref<327680xf32, #tpu.memory_space<hbm>> -> memref<128xf32, #tpu.memory_space<hbm>>
        tpu.wait_dma2 semaphore(%arg17 : memref<!tpu.dma_semaphore, #tpu.memory_space<semaphore_mem>>) src(%arg13 : memref<128xf32, #tpu.memory_space<vmem>>) dst(%dma_wait3A_112 : memref<128xf32, #tpu.memory_space<hbm>>)
      } else {
      }
      %scan3A_53 = arith.constant 0 : i32
      %scan3A_54 = arith.constant 0 : i32
      %scan3A_55 = arith.constant 128 : i32
      %scan3A_56 = arith.addi %scan3A_54, %scan3A_55 : i32
      %scan3A_57 = arith.constant 4 : i32
      scf.for %scan3A_109 = %scan3A_54 to %scan3A_56 step %scan3A_57  : i32 {
        %get3A = arith.index_cast %scan3A_109 : i32 to index
        %get3A_110 = arith.constant 0 : index
        %get3A_111 = tpu.vector_load %arg9[%get3A, %get3A_110] {strides = array<i32>} : memref<128x64xi32, #tpu.memory_space<vmem>>, vector<16xi32>,
        %bitcast3A = vector.bitcast %get3A_111 : vector<16xi32> to vector<32xbf16>
        %get3A_112 = arith.index_cast %scan3A_109 : i32 to index
        %get3A_113 = arith.constant 0 : index
        %get3A_114 = tpu.vector_load %arg11[%get3A_112, %get3A_113] {strides = array<i32>} : memref<128x64xi32, #tpu.memory_space<vmem>>, vector<16xi32>,
        %bitcast3A_115 = vector.bitcast %get3A_114 : vector<16xi32> to vector<32xbf16>
        %mul3A_116 = arith.mulf %bitcast3A, %bitcast3A_115 : vector<32xbf16>
        %unpack3A = tpu.unpack_subelements %mul3A_116, 0 {pack_format = #tpu.pack_format<interleaved>} : vector<32xbf16> -> vector<16xf32>
        %unpack3A_117 = tpu.unpack_subelements %mul3A_116, 1 {pack_format = #tpu.pack_format<interleaved>} : vector<32xbf16> -> vector<16xf32>
        %add3A_118 = arith.addf %unpack3A, %unpack3A_117 : vector<16xf32>
        %get3A_119 = arith.index_cast %scan3A_109 : i32 to index
        %get3A_120 = arith.constant 16 : index
        %get3A_121 = tpu.vector_load %arg9[%get3A_119, %get3A_120] {strides = array<i32>} : memref<128x64xi32, #tpu.memory_space<vmem>>, vector<16xi32>,
        %bitcast3A_122 = vector.bitcast %get3A_121 : vector<16xi32> to vector<32xbf16>
        %get3A_123 = arith.index_cast %scan3A_109 : i32 to index
        %get3A_124 = arith.constant 16 : index
        %get3A_125 = tpu.vector_load %arg11[%get3A_123, %get3A_124] {strides = array<i32>} : memref<128x64xi32, #tpu.memory_space<vmem>>, vector<16xi32>,
        %bitcast3A_126 = vector.bitcast %get3A_125 : vector<16xi32> to vector<32xbf16>
        %mul3A_127 = arith.mulf %bitcast3A_122, %bitcast3A_126 : vector<32xbf16>
        %unpack3A_128 = tpu.unpack_subelements %mul3A_127, 0 {pack_format = #tpu.pack_format<interleaved>} : vector<32xbf16> -> vector<16xf32>
        %unpack3A_129 = tpu.unpack_subelements %mul3A_127, 1 {pack_format = #tpu.pack_format<interleaved>} : vector<32xbf16> -> vector<16xf32>
        %add3A_130 = arith.addf %unpack3A_128, %unpack3A_129 : vector<16xf32>
        %get3A_131 = arith.index_cast %scan3A_109 : i32 to index
        %get3A_132 = arith.constant 32 : index
        %get3A_133 = tpu.vector_load %arg9[%get3A_131, %get3A_132] {strides = array<i32>} : memref<128x64xi32, #tpu.memory_space<vmem>>, vector<16xi32>,
        %bitcast3A_134 = vector.bitcast %get3A_133 : vector<16xi32> to vector<32xbf16>
        %get3A_135 = arith.index_cast %scan3A_109 : i32 to index
        %get3A_136 = arith.constant 32 : index
        %get3A_137 = tpu.vector_load %arg11[%get3A_135, %get3A_136] {strides = array<i32>} : memref<128x64xi32, #tpu.memory_space<vmem>>, vector<16xi32>,
        %bitcast3A_138 = vector.bitcast %get3A_137 : vector<16xi32> to vector<32xbf16>
        %mul3A_139 = arith.mulf %bitcast3A_134, %bitcast3A_138 : vector<32xbf16>
        %unpack3A_140 = tpu.unpack_subelements %mul3A_139, 0 {pack_format = #tpu.pack_format<interleaved>} : vector<32xbf16> -> vector<16xf32>
        %unpack3A_141 = tpu.unpack_subelements %mul3A_139, 1 {pack_format = #tpu.pack_format<interleaved>} : vector<32xbf16> -> vector<16xf32>
        %add3A_142 = arith.addf %unpack3A_140, %unpack3A_141 : vector<16xf32>
        %get3A_143 = arith.index_cast %scan3A_109 : i32 to index
        %get3A_144 = arith.constant 48 : index
        %get3A_145 = tpu.vector_load %arg9[%get3A_143, %get3A_144] {strides = array<i32>} : memref<128x64xi32, #tpu.memory_space<vmem>>, vector<16xi32>,
        %bitcast3A_146 = vector.bitcast %get3A_145 : vector<16xi32> to vector<32xbf16>
        %get3A_147 = arith.index_cast %scan3A_109 : i32 to index
        %get3A_148 = arith.constant 48 : index
        %get3A_149 = tpu.vector_load %arg11[%get3A_147, %get3A_148] {strides = array<i32>} : memref<128x64xi32, #tpu.memory_space<vmem>>, vector<16xi32>,
        %bitcast3A_150 = vector.bitcast %get3A_149 : vector<16xi32> to vector<32xbf16>
        %mul3A_151 = arith.mulf %bitcast3A_146, %bitcast3A_150 : vector<32xbf16>
        %unpack3A_152 = tpu.unpack_subelements %mul3A_151, 0 {pack_format = #tpu.pack_format<interleaved>} : vector<32xbf16> -> vector<16xf32>
        %unpack3A_153 = tpu.unpack_subelements %mul3A_151, 1 {pack_format = #tpu.pack_format<interleaved>} : vector<32xbf16> -> vector<16xf32>
        %add3A_154 = arith.addf %unpack3A_152, %unpack3A_153 : vector<16xf32>
        %add3A_155 = arith.addf %add3A_118, %add3A_130 : vector<16xf32>
        %add3A_156 = arith.addf %add3A_142, %add3A_154 : vector<16xf32>
        %add3A_157 = arith.addf %add3A_155, %add3A_156 : vector<16xf32>
        %broadcast_in_dim3A = arith.constant true
        %broadcast_in_dim3A_158 = vector.broadcast %broadcast_in_dim3A : i1 to vector<16xi1>
        %masked_cumsum3A = tpu.scan <sum>, %add3A_157 masked %broadcast_in_dim3A_158 : vector<16xf32>, vector<16xi1> -> vector<16xf32>
        %broadcast_in_dim3A_159 = vector.broadcast %scan3A_109 : i32 to vector<16xi32>
        tpu.vector_store_idx %arg13[%broadcast_in_dim3A_159], %masked_cumsum3A masked %eq3A_4 : memref<128xf32, #tpu.memory_space<vmem>>[vector<16xi32>], vector<16xf32>, vector<16xi1>
        %scan3A_160 = arith.constant 1 : i32
        %scan3A_161 = arith.addi %scan3A_109, %scan3A_160 : i32
        %get3A_162 = arith.index_cast %scan3A_161 : i32 to index
        %get3A_163 = arith.constant 0 : index
        %get3A_164 = tpu.vector_load %arg9[%get3A_162, %get3A_163] {strides = array<i32>} : memref<128x64xi32, #tpu.memory_space<vmem>>, vector<16xi32>,
        %bitcast3A_165 = vector.bitcast %get3A_164 : vector<16xi32> to vector<32xbf16>
        %get3A_166 = arith.index_cast %scan3A_161 : i32 to index
        %get3A_167 = arith.constant 0 : index
        %get3A_168 = tpu.vector_load %arg11[%get3A_166, %get3A_167] {strides = array<i32>} : memref<128x64xi32, #tpu.memory_space<vmem>>, vector<16xi32>,
        %bitcast3A_169 = vector.bitcast %get3A_168 : vector<16xi32> to vector<32xbf16>
        %mul3A_170 = arith.mulf %bitcast3A_165, %bitcast3A_169 : vector<32xbf16>
        %unpack3A_171 = tpu.unpack_subelements %mul3A_170, 0 {pack_format = #tpu.pack_format<interleaved>} : vector<32xbf16> -> vector<16xf32>
        %unpack3A_172 = tpu.unpack_subelements %mul3A_170, 1 {pack_format = #tpu.pack_format<interleaved>} : vector<32xbf16> -> vector<16xf32>
        %add3A_173 = arith.addf %unpack3A_171, %unpack3A_172 : vector<16xf32>
        %get3A_174 = arith.index_cast %scan3A_161 : i32 to index
        %get3A_175 = arith.constant 16 : index
        %get3A_176 = tpu.vector_load %arg9[%get3A_174, %get3A_175] {strides = array<i32>} : memref<128x64xi32, #tpu.memory_space<vmem>>, vector<16xi32>,
        %bitcast3A_177 = vector.bitcast %get3A_176 : vector<16xi32> to vector<32xbf16>
        %get3A_178 = arith.index_cast %scan3A_161 : i32 to index
        %get3A_179 = arith.constant 16 : index
        %get3A_180 = tpu.vector_load %arg11[%get3A_178, %get3A_179] {strides = array<i32>} : memref<128x64xi32, #tpu.memory_space<vmem>>, vector<16xi32>,
        %bitcast3A_181 = vector.bitcast %get3A_180 : vector<16xi32> to vector<32xbf16>
        %mul3A_182 = arith.mulf %bitcast3A_177, %bitcast3A_181 : vector<32xbf16>
        %unpack3A_183 = tpu.unpack_subelements %mul3A_182, 0 {pack_format = #tpu.pack_format<interleaved>} : vector<32xbf16> -> vector<16xf32>
        %unpack3A_184 = tpu.unpack_subelements %mul3A_182, 1 {pack_format = #tpu.pack_format<interleaved>} : vector<32xbf16> -> vector<16xf32>
        %add3A_185 = arith.addf %unpack3A_183, %unpack3A_184 : vector<16xf32>
        %get3A_186 = arith.index_cast %scan3A_161 : i32 to index
        %get3A_187 = arith.constant 32 : index
        %get3A_188 = tpu.vector_load %arg9[%get3A_186, %get3A_187] {strides = array<i32>} : memref<128x64xi32, #tpu.memory_space<vmem>>, vector<16xi32>,
        %bitcast3A_189 = vector.bitcast %get3A_188 : vector<16xi32> to vector<32xbf16>
        %get3A_190 = arith.index_cast %scan3A_161 : i32 to index
        %get3A_191 = arith.constant 32 : index
        %get3A_192 = tpu.vector_load %arg11[%get3A_190, %get3A_191] {strides = array<i32>} : memref<128x64xi32, #tpu.memory_space<vmem>>, vector<16xi32>,
        %bitcast3A_193 = vector.bitcast %get3A_192 : vector<16xi32> to vector<32xbf16>
        %mul3A_194 = arith.mulf %bitcast3A_189, %bitcast3A_193 : vector<32xbf16>
        %unpack3A_195 = tpu.unpack_subelements %mul3A_194, 0 {pack_format = #tpu.pack_format<interleaved>} : vector<32xbf16> -> vector<16xf32>
        %unpack3A_196 = tpu.unpack_subelements %mul3A_194, 1 {pack_format = #tpu.pack_format<interleaved>} : vector<32xbf16> -> vector<16xf32>
        %add3A_197 = arith.addf %unpack3A_195, %unpack3A_196 : vector<16xf32>
        %get3A_198 = arith.index_cast %scan3A_161 : i32 to index
        %get3A_199 = arith.constant 48 : index
        %get3A_200 = tpu.vector_load %arg9[%get3A_198, %get3A_199] {strides = array<i32>} : memref<128x64xi32, #tpu.memory_space<vmem>>, vector<16xi32>,
        %bitcast3A_201 = vector.bitcast %get3A_200 : vector<16xi32> to vector<32xbf16>
        %get3A_202 = arith.index_cast %scan3A_161 : i32 to index
        %get3A_203 = arith.constant 48 : index
        %get3A_204 = tpu.vector_load %arg11[%get3A_202, %get3A_203] {strides = array<i32>} : memref<128x64xi32, #tpu.memory_space<vmem>>, vector<16xi32>,
        %bitcast3A_205 = vector.bitcast %get3A_204 : vector<16xi32> to vector<32xbf16>
        %mul3A_206 = arith.mulf %bitcast3A_201, %bitcast3A_205 : vector<32xbf16>
        %unpack3A_207 = tpu.unpack_subelements %mul3A_206, 0 {pack_format = #tpu.pack_format<interleaved>} : vector<32xbf16> -> vector<16xf32>
        %unpack3A_208 = tpu.unpack_subelements %mul3A_206, 1 {pack_format = #tpu.pack_format<interleaved>} : vector<32xbf16> -> vector<16xf32>
        %add3A_209 = arith.addf %unpack3A_207, %unpack3A_208 : vector<16xf32>
        %add3A_210 = arith.addf %add3A_173, %add3A_185 : vector<16xf32>
        %add3A_211 = arith.addf %add3A_197, %add3A_209 : vector<16xf32>
        %add3A_212 = arith.addf %add3A_210, %add3A_211 : vector<16xf32>
        %broadcast_in_dim3A_213 = arith.constant true
        %broadcast_in_dim3A_214 = vector.broadcast %broadcast_in_dim3A_213 : i1 to vector<16xi1>
        %masked_cumsum3A_215 = tpu.scan <sum>, %add3A_212 masked %broadcast_in_dim3A_214 : vector<16xf32>, vector<16xi1> -> vector<16xf32>
        %broadcast_in_dim3A_216 = vector.broadcast %scan3A_161 : i32 to vector<16xi32>
        tpu.vector_store_idx %arg13[%broadcast_in_dim3A_216], %masked_cumsum3A_215 masked %eq3A_4 : memref<128xf32, #tpu.memory_space<vmem>>[vector<16xi32>], vector<16xf32>, vector<16xi1>
        %scan3A_217 = arith.constant 2 : i32
        %scan3A_218 = arith.addi %scan3A_109, %scan3A_217 : i32
        %get3A_219 = arith.index_cast %scan3A_218 : i32 to index
        %get3A_220 = arith.constant 0 : index
        %get3A_221 = tpu.vector_load %arg9[%get3A_219, %get3A_220] {strides = array<i32>} : memref<128x64xi32, #tpu.memory_space<vmem>>, vector<16xi32>,
        %bitcast3A_222 = vector.bitcast %get3A_221 : vector<16xi32> to vector<32xbf16>
        %get3A_223 = arith.index_cast %scan3A_218 : i32 to index
        %get3A_224 = arith.constant 0 : index
        %get3A_225 = tpu.vector_load %arg11[%get3A_223, %get3A_224] {strides = array<i32>} : memref<128x64xi32, #tpu.memory_space<vmem>>, vector<16xi32>,
        %bitcast3A_226 = vector.bitcast %get3A_225 : vector<16xi32> to vector<32xbf16>
        %mul3A_227 = arith.mulf %bitcast3A_222, %bitcast3A_226 : vector<32xbf16>
        %unpack3A_228 = tpu.unpack_subelements %mul3A_227, 0 {pack_format = #tpu.pack_format<interleaved>} : vector<32xbf16> -> vector<16xf32>
        %unpack3A_229 = tpu.unpack_subelements %mul3A_227, 1 {pack_format = #tpu.pack_format<interleaved>} : vector<32xbf16> -> vector<16xf32>
        %add3A_230 = arith.addf %unpack3A_228, %unpack3A_229 : vector<16xf32>
        %get3A_231 = arith.index_cast %scan3A_218 : i32 to index
        %get3A_232 = arith.constant 16 : index
        %get3A_233 = tpu.vector_load %arg9[%get3A_231, %get3A_232] {strides = array<i32>} : memref<128x64xi32, #tpu.memory_space<vmem>>, vector<16xi32>,
        %bitcast3A_234 = vector.bitcast %get3A_233 : vector<16xi32> to vector<32xbf16>
        %get3A_235 = arith.index_cast %scan3A_218 : i32 to index
        %get3A_236 = arith.constant 16 : index
        %get3A_237 = tpu.vector_load %arg11[%get3A_235, %get3A_236] {strides = array<i32>} : memref<128x64xi32, #tpu.memory_space<vmem>>, vector<16xi32>,
        %bitcast3A_238 = vector.bitcast %get3A_237 : vector<16xi32> to vector<32xbf16>
        %mul3A_239 = arith.mulf %bitcast3A_234, %bitcast3A_238 : vector<32xbf16>
        %unpack3A_240 = tpu.unpack_subelements %mul3A_239, 0 {pack_format = #tpu.pack_format<interleaved>} : vector<32xbf16> -> vector<16xf32>
        %unpack3A_241 = tpu.unpack_subelements %mul3A_239, 1 {pack_format = #tpu.pack_format<interleaved>} : vector<32xbf16> -> vector<16xf32>
        %add3A_242 = arith.addf %unpack3A_240, %unpack3A_241 : vector<16xf32>
        %get3A_243 = arith.index_cast %scan3A_218 : i32 to index
        %get3A_244 = arith.constant 32 : index
        %get3A_245 = tpu.vector_load %arg9[%get3A_243, %get3A_244] {strides = array<i32>} : memref<128x64xi32, #tpu.memory_space<vmem>>, vector<16xi32>,
        %bitcast3A_246 = vector.bitcast %get3A_245 : vector<16xi32> to vector<32xbf16>
        %get3A_247 = arith.index_cast %scan3A_218 : i32 to index
        %get3A_248 = arith.constant 32 : index
        %get3A_249 = tpu.vector_load %arg11[%get3A_247, %get3A_248] {strides = array<i32>} : memref<128x64xi32, #tpu.memory_space<vmem>>, vector<16xi32>,
        %bitcast3A_250 = vector.bitcast %get3A_249 : vector<16xi32> to vector<32xbf16>
        %mul3A_251 = arith.mulf %bitcast3A_246, %bitcast3A_250 : vector<32xbf16>
        %unpack3A_252 = tpu.unpack_subelements %mul3A_251, 0 {pack_format = #tpu.pack_format<interleaved>} : vector<32xbf16> -> vector<16xf32>
        %unpack3A_253 = tpu.unpack_subelements %mul3A_251, 1 {pack_format = #tpu.pack_format<interleaved>} : vector<32xbf16> -> vector<16xf32>
        %add3A_254 = arith.addf %unpack3A_252, %unpack3A_253 : vector<16xf32>
        %get3A_255 = arith.index_cast %scan3A_218 : i32 to index
        %get3A_256 = arith.constant 48 : index
        %get3A_257 = tpu.vector_load %arg9[%get3A_255, %get3A_256] {strides = array<i32>} : memref<128x64xi32, #tpu.memory_space<vmem>>, vector<16xi32>,
        %bitcast3A_258 = vector.bitcast %get3A_257 : vector<16xi32> to vector<32xbf16>
        %get3A_259 = arith.index_cast %scan3A_218 : i32 to index
        %get3A_260 = arith.constant 48 : index
        %get3A_261 = tpu.vector_load %arg11[%get3A_259, %get3A_260] {strides = array<i32>} : memref<128x64xi32, #tpu.memory_space<vmem>>, vector<16xi32>,
        %bitcast3A_262 = vector.bitcast %get3A_261 : vector<16xi32> to vector<32xbf16>
        %mul3A_263 = arith.mulf %bitcast3A_258, %bitcast3A_262 : vector<32xbf16>
        %unpack3A_264 = tpu.unpack_subelements %mul3A_263, 0 {pack_format = #tpu.pack_format<interleaved>} : vector<32xbf16> -> vector<16xf32>
        %unpack3A_265 = tpu.unpack_subelements %mul3A_263, 1 {pack_format = #tpu.pack_format<interleaved>} : vector<32xbf16> -> vector<16xf32>
        %add3A_266 = arith.addf %unpack3A_264, %unpack3A_265 : vector<16xf32>
        %add3A_267 = arith.addf %add3A_230, %add3A_242 : vector<16xf32>
        %add3A_268 = arith.addf %add3A_254, %add3A_266 : vector<16xf32>
        %add3A_269 = arith.addf %add3A_267, %add3A_268 : vector<16xf32>
        %broadcast_in_dim3A_270 = arith.constant true
        %broadcast_in_dim3A_271 = vector.broadcast %broadcast_in_dim3A_270 : i1 to vector<16xi1>
        %masked_cumsum3A_272 = tpu.scan <sum>, %add3A_269 masked %broadcast_in_dim3A_271 : vector<16xf32>, vector<16xi1> -> vector<16xf32>
        %broadcast_in_dim3A_273 = vector.broadcast %scan3A_218 : i32 to vector<16xi32>
        tpu.vector_store_idx %arg13[%broadcast_in_dim3A_273], %masked_cumsum3A_272 masked %eq3A_4 : memref<128xf32, #tpu.memory_space<vmem>>[vector<16xi32>], vector<16xf32>, vector<16xi1>
        %scan3A_274 = arith.constant 3 : i32
        %scan3A_275 = arith.addi %scan3A_109, %scan3A_274 : i32
        %get3A_276 = arith.index_cast %scan3A_275 : i32 to index
        %get3A_277 = arith.constant 0 : index
        %get3A_278 = tpu.vector_load %arg9[%get3A_276, %get3A_277] {strides = array<i32>} : memref<128x64xi32, #tpu.memory_space<vmem>>, vector<16xi32>,
        %bitcast3A_279 = vector.bitcast %get3A_278 : vector<16xi32> to vector<32xbf16>
        %get3A_280 = arith.index_cast %scan3A_275 : i32 to index
        %get3A_281 = arith.constant 0 : index
        %get3A_282 = tpu.vector_load %arg11[%get3A_280, %get3A_281] {strides = array<i32>} : memref<128x64xi32, #tpu.memory_space<vmem>>, vector<16xi32>,
        %bitcast3A_283 = vector.bitcast %get3A_282 : vector<16xi32> to vector<32xbf16>
        %mul3A_284 = arith.mulf %bitcast3A_279, %bitcast3A_283 : vector<32xbf16>
        %unpack3A_285 = tpu.unpack_subelements %mul3A_284, 0 {pack_format = #tpu.pack_format<interleaved>} : vector<32xbf16> -> vector<16xf32>
        %unpack3A_286 = tpu.unpack_subelements %mul3A_284, 1 {pack_format = #tpu.pack_format<interleaved>} : vector<32xbf16> -> vector<16xf32>
        %add3A_287 = arith.addf %unpack3A_285, %unpack3A_286 : vector<16xf32>
        %get3A_288 = arith.index_cast %scan3A_275 : i32 to index
        %get3A_289 = arith.constant 16 : index
        %get3A_290 = tpu.vector_load %arg9[%get3A_288, %get3A_289] {strides = array<i32>} : memref<128x64xi32, #tpu.memory_space<vmem>>, vector<16xi32>,
        %bitcast3A_291 = vector.bitcast %get3A_290 : vector<16xi32> to vector<32xbf16>
        %get3A_292 = arith.index_cast %scan3A_275 : i32 to index
        %get3A_293 = arith.constant 16 : index
        %get3A_294 = tpu.vector_load %arg11[%get3A_292, %get3A_293] {strides = array<i32>} : memref<128x64xi32, #tpu.memory_space<vmem>>, vector<16xi32>,
        %bitcast3A_295 = vector.bitcast %get3A_294 : vector<16xi32> to vector<32xbf16>
        %mul3A_296 = arith.mulf %bitcast3A_291, %bitcast3A_295 : vector<32xbf16>
        %unpack3A_297 = tpu.unpack_subelements %mul3A_296, 0 {pack_format = #tpu.pack_format<interleaved>} : vector<32xbf16> -> vector<16xf32>
        %unpack3A_298 = tpu.unpack_subelements %mul3A_296, 1 {pack_format = #tpu.pack_format<interleaved>} : vector<32xbf16> -> vector<16xf32>
        %add3A_299 = arith.addf %unpack3A_297, %unpack3A_298 : vector<16xf32>
        %get3A_300 = arith.index_cast %scan3A_275 : i32 to index
        %get3A_301 = arith.constant 32 : index
        %get3A_302 = tpu.vector_load %arg9[%get3A_300, %get3A_301] {strides = array<i32>} : memref<128x64xi32, #tpu.memory_space<vmem>>, vector<16xi32>,
        %bitcast3A_303 = vector.bitcast %get3A_302 : vector<16xi32> to vector<32xbf16>
        %get3A_304 = arith.index_cast %scan3A_275 : i32 to index
        %get3A_305 = arith.constant 32 : index
        %get3A_306 = tpu.vector_load %arg11[%get3A_304, %get3A_305] {strides = array<i32>} : memref<128x64xi32, #tpu.memory_space<vmem>>, vector<16xi32>,
        %bitcast3A_307 = vector.bitcast %get3A_306 : vector<16xi32> to vector<32xbf16>
        %mul3A_308 = arith.mulf %bitcast3A_303, %bitcast3A_307 : vector<32xbf16>
        %unpack3A_309 = tpu.unpack_subelements %mul3A_308, 0 {pack_format = #tpu.pack_format<interleaved>} : vector<32xbf16> -> vector<16xf32>
        %unpack3A_310 = tpu.unpack_subelements %mul3A_308, 1 {pack_format = #tpu.pack_format<interleaved>} : vector<32xbf16> -> vector<16xf32>
        %add3A_311 = arith.addf %unpack3A_309, %unpack3A_310 : vector<16xf32>
        %get3A_312 = arith.index_cast %scan3A_275 : i32 to index
        %get3A_313 = arith.constant 48 : index
        %get3A_314 = tpu.vector_load %arg9[%get3A_312, %get3A_313] {strides = array<i32>} : memref<128x64xi32, #tpu.memory_space<vmem>>, vector<16xi32>,
        %bitcast3A_315 = vector.bitcast %get3A_314 : vector<16xi32> to vector<32xbf16>
        %get3A_316 = arith.index_cast %scan3A_275 : i32 to index
        %get3A_317 = arith.constant 48 : index
        %get3A_318 = tpu.vector_load %arg11[%get3A_316, %get3A_317] {strides = array<i32>} : memref<128x64xi32, #tpu.memory_space<vmem>>, vector<16xi32>,
        %bitcast3A_319 = vector.bitcast %get3A_318 : vector<16xi32> to vector<32xbf16>
        %mul3A_320 = arith.mulf %bitcast3A_315, %bitcast3A_319 : vector<32xbf16>
        %unpack3A_321 = tpu.unpack_subelements %mul3A_320, 0 {pack_format = #tpu.pack_format<interleaved>} : vector<32xbf16> -> vector<16xf32>
        %unpack3A_322 = tpu.unpack_subelements %mul3A_320, 1 {pack_format = #tpu.pack_format<interleaved>} : vector<32xbf16> -> vector<16xf32>
        %add3A_323 = arith.addf %unpack3A_321, %unpack3A_322 : vector<16xf32>
        %add3A_324 = arith.addf %add3A_287, %add3A_299 : vector<16xf32>
        %add3A_325 = arith.addf %add3A_311, %add3A_323 : vector<16xf32>
        %add3A_326 = arith.addf %add3A_324, %add3A_325 : vector<16xf32>
        %broadcast_in_dim3A_327 = arith.constant true
        %broadcast_in_dim3A_328 = vector.broadcast %broadcast_in_dim3A_327 : i1 to vector<16xi1>
        %masked_cumsum3A_329 = tpu.scan <sum>, %add3A_326 masked %broadcast_in_dim3A_328 : vector<16xf32>, vector<16xi1> -> vector<16xf32>
        %broadcast_in_dim3A_330 = vector.broadcast %scan3A_275 : i32 to vector<16xi32>
        tpu.vector_store_idx %arg13[%broadcast_in_dim3A_330], %masked_cumsum3A_329 masked %eq3A_4 : memref<128xf32, #tpu.memory_space<vmem>>[vector<16xi32>], vector<16xf32>, vector<16xi1>
      }
      %scan3A_58 = arith.constant 128 : i32
      %add3A_59 = arith.constant 2 : i32
      %add3A_60 = arith.addi %add3A_40, %add3A_59 : i32
      %lt3A = arith.constant 80 : i32
      %lt3A_61 = arith.cmpi slt, %add3A_60, %lt3A : i32
      %convert_element_type3A_62 = arith.extui %lt3A_61 : i1 to i32
      %cond3A_63 = arith.constant 0 : i32
      %cond3A_64 = arith.cmpi ne, %convert_element_type3A_62, %cond3A_63 : i32
      scf.if %cond3A_64 {
        %add3A_109 = arith.constant 2 : i32
        %add3A_110 = arith.addi %add3A_40, %add3A_109 : i32
        %mul3A_111 = arith.constant 128 : i32
        %mul3A_112 = arith.muli %add3A_110, %mul3A_111 : i32
        %multiple_of3A_113 = tpu.assume_multiple %mul3A_112, 128 : i32
        %dma_start3A_114 = tpu.memref_slice %arg7[%multiple_of3A_113] : memref<10240xi32, #tpu.memory_space<vmem>> -> memref<128xi32, #tpu.memory_space<vmem>>
        %dma_start3A_115 = arith.constant 0 : i32
        %dma_start3A_116 = arith.constant 0 : i32
        %dma_start3A_117 = tpu.memref_slice %arg4[%dma_start3A_115, %dma_start3A_116] : memref<10000x64xi32, #tpu.memory_space<hbm>> -> memref<10000x64xi32, #tpu.memory_space<hbm>>
        tpu.enqueue_indirect_dma source(%dma_start3A_117 : memref<10000x64xi32, #tpu.memory_space<hbm>>) target(%arg9 : memref<128x64xi32, #tpu.memory_space<vmem>>) offsets(%dma_start3A_114 : memref<128xi32, #tpu.memory_space<vmem>>) semaphore(%arg15 : memref<!tpu.dma_semaphore, #tpu.memory_space<semaphore_mem>>)
        %dma_start3A_118 = tpu.memref_slice %arg8[%multiple_of3A_113] : memref<10240xi32, #tpu.memory_space<vmem>> -> memref<128xi32, #tpu.memory_space<vmem>>
        %dma_start3A_119 = arith.constant 0 : i32
        %dma_start3A_120 = arith.constant 0 : i32
        %dma_start3A_121 = tpu.memref_slice %arg5[%dma_start3A_119, %dma_start3A_120] : memref<10000x64xi32, #tpu.memory_space<hbm>> -> memref<10000x64xi32, #tpu.memory_space<hbm>>
        tpu.enqueue_indirect_dma source(%dma_start3A_121 : memref<10000x64xi32, #tpu.memory_space<hbm>>) target(%arg11 : memref<128x64xi32, #tpu.memory_space<vmem>>) offsets(%dma_start3A_118 : memref<128xi32, #tpu.memory_space<vmem>>) semaphore(%arg15 : memref<!tpu.dma_semaphore, #tpu.memory_space<semaphore_mem>>)
      } else {
      }
      %mul3A_65 = arith.constant 128 : i32
      %mul3A_66 = arith.muli %add3A_40, %mul3A_65 : i32
      %add3A_67 = arith.addi %multiple_of3A, %mul3A_66 : i32
      %multiple_of3A_68 = tpu.assume_multiple %add3A_67, 128 : i32
      %dma_start3A_69 = tpu.memref_slice %arg6[%multiple_of3A_68] : memref<327680xf32, #tpu.memory_space<hbm>> -> memref<128xf32, #tpu.memory_space<hbm>>
      %dma_start3A_70 = tpu.memref_slice %arg6[%multiple_of3A_68] : memref<327680xf32, #tpu.memory_space<hbm>> -> memref<128xf32, #tpu.memory_space<hbm>>
      tpu.enqueue_dma source(%arg13 : memref<128xf32, #tpu.memory_space<vmem>>) target(%dma_start3A_70 : memref<128xf32, #tpu.memory_space<hbm>>) target_semaphore(%arg17 : memref<!tpu.dma_semaphore, #tpu.memory_space<semaphore_mem>>)
      %mul3A_71 = arith.constant 2 : i32
      %mul3A_72 = arith.muli %scan3A_36, %mul3A_71 : i32
      %add3A_73 = arith.constant 1 : i32
      %add3A_74 = arith.addi %mul3A_72, %add3A_73 : i32
      %dma_wait3A_75 = arith.constant 0 : i32
      %dma_wait3A_76 = tpu.memref_slice %arg7[%dma_wait3A_75] : memref<10240xi32, #tpu.memory_space<vmem>> -> memref<128xi32, #tpu.memory_space<vmem>>
      %dma_wait3A_77 = arith.constant 0 : i32
      %dma_wait3A_78 = arith.constant 0 : i32
      %dma_wait3A_79 = tpu.memref_slice %arg4[%dma_wait3A_77, %dma_wait3A_78] : memref<10000x64xi32, #tpu.memory_space<hbm>> -> memref<10000x64xi32, #tpu.memory_space<hbm>>
      tpu.wait_indirect_dma semaphore(%arg16 : memref<!tpu.dma_semaphore, #tpu.memory_space<semaphore_mem>>) src(%dma_wait3A_79 : memref<10000x64xi32, #tpu.memory_space<hbm>>) dst(%arg10 : memref<128x64xi32, #tpu.memory_space<vmem>>)
      %dma_wait3A_80 = arith.constant 0 : i32
      %dma_wait3A_81 = tpu.memref_slice %arg8[%dma_wait3A_80] : memref<10240xi32, #tpu.memory_space<vmem>> -> memref<128xi32, #tpu.memory_space<vmem>>
      %dma_wait3A_82 = arith.constant 0 : i32
      %dma_wait3A_83 = arith.constant 0 : i32
      %dma_wait3A_84 = tpu.memref_slice %arg5[%dma_wait3A_82, %dma_wait3A_83] : memref<10000x64xi32, #tpu.memory_space<hbm>> -> memref<10000x64xi32, #tpu.memory_space<hbm>>
      tpu.wait_indirect_dma semaphore(%arg16 : memref<!tpu.dma_semaphore, #tpu.memory_space<semaphore_mem>>) src(%dma_wait3A_84 : memref<10000x64xi32, #tpu.memory_space<hbm>>) dst(%arg12 : memref<128x64xi32, #tpu.memory_space<vmem>>)
      %gt3A_85 = arith.constant 0 : i32
      %gt3A_86 = arith.cmpi sgt, %scan3A_36, %gt3A_85 : i32
      %convert_element_type3A_87 = arith.extui %gt3A_86 : i1 to i32
      %cond3A_88 = arith.constant 0 : i32
      %cond3A_89 = arith.cmpi ne, %convert_element_type3A_87, %cond3A_88 : i32
      scf.if %cond3A_89 {
        %dma_wait3A_109 = arith.constant 0 : i32
        %dma_wait3A_110 = tpu.memref_slice %arg6[%dma_wait3A_109] : memref<327680xf32, #tpu.memory_space<hbm>> -> memref<128xf32, #tpu.memory_space<hbm>>
        %dma_wait3A_111 = arith.constant 0 : i32
        %dma_wait3A_112 = tpu.memref_slice %arg6[%dma_wait3A_111] : memref<327680xf32, #tpu.memory_space<hbm>> -> memref<128xf32, #tpu.memory_space<hbm>>
        tpu.wait_dma2 semaphore(%arg18 : memref<!tpu.dma_semaphore, #tpu.memory_space<semaphore_mem>>) src(%arg14 : memref<128xf32, #tpu.memory_space<vmem>>) dst(%dma_wait3A_112 : memref<128xf32, #tpu.memory_space<hbm>>)
      } else {
      }
      %scan3A_90 = arith.constant 0 : i32
      %scan3A_91 = arith.constant 0 : i32
      %scan3A_92 = arith.constant 128 : i32
      %scan3A_93 = arith.addi %scan3A_91, %scan3A_92 : i32
      %scan3A_94 = arith.constant 4 : i32
      scf.for %scan3A_109 = %scan3A_91 to %scan3A_93 step %scan3A_94  : i32 {
        %get3A = arith.index_cast %scan3A_109 : i32 to index
        %get3A_110 = arith.constant 0 : index
        %get3A_111 = tpu.vector_load %arg10[%get3A, %get3A_110] {strides = array<i32>} : memref<128x64xi32, #tpu.memory_space<vmem>>, vector<16xi32>,
        %bitcast3A = vector.bitcast %get3A_111 : vector<16xi32> to vector<32xbf16>
        %get3A_112 = arith.index_cast %scan3A_109 : i32 to index
        %get3A_113 = arith.constant 0 : index
        %get3A_114 = tpu.vector_load %arg12[%get3A_112, %get3A_113] {strides = array<i32>} : memref<128x64xi32, #tpu.memory_space<vmem>>, vector<16xi32>,
        %bitcast3A_115 = vector.bitcast %get3A_114 : vector<16xi32> to vector<32xbf16>
        %mul3A_116 = arith.mulf %bitcast3A, %bitcast3A_115 : vector<32xbf16>
        %unpack3A = tpu.unpack_subelements %mul3A_116, 0 {pack_format = #tpu.pack_format<interleaved>} : vector<32xbf16> -> vector<16xf32>
        %unpack3A_117 = tpu.unpack_subelements %mul3A_116, 1 {pack_format = #tpu.pack_format<interleaved>} : vector<32xbf16> -> vector<16xf32>
        %add3A_118 = arith.addf %unpack3A, %unpack3A_117 : vector<16xf32>
        %get3A_119 = arith.index_cast %scan3A_109 : i32 to index
        %get3A_120 = arith.constant 16 : index
        %get3A_121 = tpu.vector_load %arg10[%get3A_119, %get3A_120] {strides = array<i32>} : memref<128x64xi32, #tpu.memory_space<vmem>>, vector<16xi32>,
        %bitcast3A_122 = vector.bitcast %get3A_121 : vector<16xi32> to vector<32xbf16>
        %get3A_123 = arith.index_cast %scan3A_109 : i32 to index
        %get3A_124 = arith.constant 16 : index
        %get3A_125 = tpu.vector_load %arg12[%get3A_123, %get3A_124] {strides = array<i32>} : memref<128x64xi32, #tpu.memory_space<vmem>>, vector<16xi32>,
        %bitcast3A_126 = vector.bitcast %get3A_125 : vector<16xi32> to vector<32xbf16>
        %mul3A_127 = arith.mulf %bitcast3A_122, %bitcast3A_126 : vector<32xbf16>
        %unpack3A_128 = tpu.unpack_subelements %mul3A_127, 0 {pack_format = #tpu.pack_format<interleaved>} : vector<32xbf16> -> vector<16xf32>
        %unpack3A_129 = tpu.unpack_subelements %mul3A_127, 1 {pack_format = #tpu.pack_format<interleaved>} : vector<32xbf16> -> vector<16xf32>
        %add3A_130 = arith.addf %unpack3A_128, %unpack3A_129 : vector<16xf32>
        %get3A_131 = arith.index_cast %scan3A_109 : i32 to index
        %get3A_132 = arith.constant 32 : index
        %get3A_133 = tpu.vector_load %arg10[%get3A_131, %get3A_132] {strides = array<i32>} : memref<128x64xi32, #tpu.memory_space<vmem>>, vector<16xi32>,
        %bitcast3A_134 = vector.bitcast %get3A_133 : vector<16xi32> to vector<32xbf16>
        %get3A_135 = arith.index_cast %scan3A_109 : i32 to index
        %get3A_136 = arith.constant 32 : index
        %get3A_137 = tpu.vector_load %arg12[%get3A_135, %get3A_136] {strides = array<i32>} : memref<128x64xi32, #tpu.memory_space<vmem>>, vector<16xi32>,
        %bitcast3A_138 = vector.bitcast %get3A_137 : vector<16xi32> to vector<32xbf16>
        %mul3A_139 = arith.mulf %bitcast3A_134, %bitcast3A_138 : vector<32xbf16>
        %unpack3A_140 = tpu.unpack_subelements %mul3A_139, 0 {pack_format = #tpu.pack_format<interleaved>} : vector<32xbf16> -> vector<16xf32>
        %unpack3A_141 = tpu.unpack_subelements %mul3A_139, 1 {pack_format = #tpu.pack_format<interleaved>} : vector<32xbf16> -> vector<16xf32>
        %add3A_142 = arith.addf %unpack3A_140, %unpack3A_141 : vector<16xf32>
        %get3A_143 = arith.index_cast %scan3A_109 : i32 to index
        %get3A_144 = arith.constant 48 : index
        %get3A_145 = tpu.vector_load %arg10[%get3A_143, %get3A_144] {strides = array<i32>} : memref<128x64xi32, #tpu.memory_space<vmem>>, vector<16xi32>,
        %bitcast3A_146 = vector.bitcast %get3A_145 : vector<16xi32> to vector<32xbf16>
        %get3A_147 = arith.index_cast %scan3A_109 : i32 to index
        %get3A_148 = arith.constant 48 : index
        %get3A_149 = tpu.vector_load %arg12[%get3A_147, %get3A_148] {strides = array<i32>} : memref<128x64xi32, #tpu.memory_space<vmem>>, vector<16xi32>,
        %bitcast3A_150 = vector.bitcast %get3A_149 : vector<16xi32> to vector<32xbf16>
        %mul3A_151 = arith.mulf %bitcast3A_146, %bitcast3A_150 : vector<32xbf16>
        %unpack3A_152 = tpu.unpack_subelements %mul3A_151, 0 {pack_format = #tpu.pack_format<interleaved>} : vector<32xbf16> -> vector<16xf32>
        %unpack3A_153 = tpu.unpack_subelements %mul3A_151, 1 {pack_format = #tpu.pack_format<interleaved>} : vector<32xbf16> -> vector<16xf32>
        %add3A_154 = arith.addf %unpack3A_152, %unpack3A_153 : vector<16xf32>
        %add3A_155 = arith.addf %add3A_118, %add3A_130 : vector<16xf32>
        %add3A_156 = arith.addf %add3A_142, %add3A_154 : vector<16xf32>
        %add3A_157 = arith.addf %add3A_155, %add3A_156 : vector<16xf32>
        %broadcast_in_dim3A = arith.constant true
        %broadcast_in_dim3A_158 = vector.broadcast %broadcast_in_dim3A : i1 to vector<16xi1>
        %masked_cumsum3A = tpu.scan <sum>, %add3A_157 masked %broadcast_in_dim3A_158 : vector<16xf32>, vector<16xi1> -> vector<16xf32>
        %broadcast_in_dim3A_159 = vector.broadcast %scan3A_109 : i32 to vector<16xi32>
        tpu.vector_store_idx %arg14[%broadcast_in_dim3A_159], %masked_cumsum3A masked %eq3A_4 : memref<128xf32, #tpu.memory_space<vmem>>[vector<16xi32>], vector<16xf32>, vector<16xi1>
        %scan3A_160 = arith.constant 1 : i32
        %scan3A_161 = arith.addi %scan3A_109, %scan3A_160 : i32
        %get3A_162 = arith.index_cast %scan3A_161 : i32 to index
        %get3A_163 = arith.constant 0 : index
        %get3A_164 = tpu.vector_load %arg10[%get3A_162, %get3A_163] {strides = array<i32>} : memref<128x64xi32, #tpu.memory_space<vmem>>, vector<16xi32>,
        %bitcast3A_165 = vector.bitcast %get3A_164 : vector<16xi32> to vector<32xbf16>
        %get3A_166 = arith.index_cast %scan3A_161 : i32 to index
        %get3A_167 = arith.constant 0 : index
        %get3A_168 = tpu.vector_load %arg12[%get3A_166, %get3A_167] {strides = array<i32>} : memref<128x64xi32, #tpu.memory_space<vmem>>, vector<16xi32>,
        %bitcast3A_169 = vector.bitcast %get3A_168 : vector<16xi32> to vector<32xbf16>
        %mul3A_170 = arith.mulf %bitcast3A_165, %bitcast3A_169 : vector<32xbf16>
        %unpack3A_171 = tpu.unpack_subelements %mul3A_170, 0 {pack_format = #tpu.pack_format<interleaved>} : vector<32xbf16> -> vector<16xf32>
        %unpack3A_172 = tpu.unpack_subelements %mul3A_170, 1 {pack_format = #tpu.pack_format<interleaved>} : vector<32xbf16> -> vector<16xf32>
        %add3A_173 = arith.addf %unpack3A_171, %unpack3A_172 : vector<16xf32>
        %get3A_174 = arith.index_cast %scan3A_161 : i32 to index
        %get3A_175 = arith.constant 16 : index
        %get3A_176 = tpu.vector_load %arg10[%get3A_174, %get3A_175] {strides = array<i32>} : memref<128x64xi32, #tpu.memory_space<vmem>>, vector<16xi32>,
        %bitcast3A_177 = vector.bitcast %get3A_176 : vector<16xi32> to vector<32xbf16>
        %get3A_178 = arith.index_cast %scan3A_161 : i32 to index
        %get3A_179 = arith.constant 16 : index
        %get3A_180 = tpu.vector_load %arg12[%get3A_178, %get3A_179] {strides = array<i32>} : memref<128x64xi32, #tpu.memory_space<vmem>>, vector<16xi32>,
        %bitcast3A_181 = vector.bitcast %get3A_180 : vector<16xi32> to vector<32xbf16>
        %mul3A_182 = arith.mulf %bitcast3A_177, %bitcast3A_181 : vector<32xbf16>
        %unpack3A_183 = tpu.unpack_subelements %mul3A_182, 0 {pack_format = #tpu.pack_format<interleaved>} : vector<32xbf16> -> vector<16xf32>
        %unpack3A_184 = tpu.unpack_subelements %mul3A_182, 1 {pack_format = #tpu.pack_format<interleaved>} : vector<32xbf16> -> vector<16xf32>
        %add3A_185 = arith.addf %unpack3A_183, %unpack3A_184 : vector<16xf32>
        %get3A_186 = arith.index_cast %scan3A_161 : i32 to index
        %get3A_187 = arith.constant 32 : index
        %get3A_188 = tpu.vector_load %arg10[%get3A_186, %get3A_187] {strides = array<i32>} : memref<128x64xi32, #tpu.memory_space<vmem>>, vector<16xi32>,
        %bitcast3A_189 = vector.bitcast %get3A_188 : vector<16xi32> to vector<32xbf16>
        %get3A_190 = arith.index_cast %scan3A_161 : i32 to index
        %get3A_191 = arith.constant 32 : index
        %get3A_192 = tpu.vector_load %arg12[%get3A_190, %get3A_191] {strides = array<i32>} : memref<128x64xi32, #tpu.memory_space<vmem>>, vector<16xi32>,
        %bitcast3A_193 = vector.bitcast %get3A_192 : vector<16xi32> to vector<32xbf16>
        %mul3A_194 = arith.mulf %bitcast3A_189, %bitcast3A_193 : vector<32xbf16>
        %unpack3A_195 = tpu.unpack_subelements %mul3A_194, 0 {pack_format = #tpu.pack_format<interleaved>} : vector<32xbf16> -> vector<16xf32>
        %unpack3A_196 = tpu.unpack_subelements %mul3A_194, 1 {pack_format = #tpu.pack_format<interleaved>} : vector<32xbf16> -> vector<16xf32>
        %add3A_197 = arith.addf %unpack3A_195, %unpack3A_196 : vector<16xf32>
        %get3A_198 = arith.index_cast %scan3A_161 : i32 to index
        %get3A_199 = arith.constant 48 : index
        %get3A_200 = tpu.vector_load %arg10[%get3A_198, %get3A_199] {strides = array<i32>} : memref<128x64xi32, #tpu.memory_space<vmem>>, vector<16xi32>,
        %bitcast3A_201 = vector.bitcast %get3A_200 : vector<16xi32> to vector<32xbf16>
        %get3A_202 = arith.index_cast %scan3A_161 : i32 to index
        %get3A_203 = arith.constant 48 : index
        %get3A_204 = tpu.vector_load %arg12[%get3A_202, %get3A_203] {strides = array<i32>} : memref<128x64xi32, #tpu.memory_space<vmem>>, vector<16xi32>,
        %bitcast3A_205 = vector.bitcast %get3A_204 : vector<16xi32> to vector<32xbf16>
        %mul3A_206 = arith.mulf %bitcast3A_201, %bitcast3A_205 : vector<32xbf16>
        %unpack3A_207 = tpu.unpack_subelements %mul3A_206, 0 {pack_format = #tpu.pack_format<interleaved>} : vector<32xbf16> -> vector<16xf32>
        %unpack3A_208 = tpu.unpack_subelements %mul3A_206, 1 {pack_format = #tpu.pack_format<interleaved>} : vector<32xbf16> -> vector<16xf32>
        %add3A_209 = arith.addf %unpack3A_207, %unpack3A_208 : vector<16xf32>
        %add3A_210 = arith.addf %add3A_173, %add3A_185 : vector<16xf32>
        %add3A_211 = arith.addf %add3A_197, %add3A_209 : vector<16xf32>
        %add3A_212 = arith.addf %add3A_210, %add3A_211 : vector<16xf32>
        %broadcast_in_dim3A_213 = arith.constant true
        %broadcast_in_dim3A_214 = vector.broadcast %broadcast_in_dim3A_213 : i1 to vector<16xi1>
        %masked_cumsum3A_215 = tpu.scan <sum>, %add3A_212 masked %broadcast_in_dim3A_214 : vector<16xf32>, vector<16xi1> -> vector<16xf32>
        %broadcast_in_dim3A_216 = vector.broadcast %scan3A_161 : i32 to vector<16xi32>
        tpu.vector_store_idx %arg14[%broadcast_in_dim3A_216], %masked_cumsum3A_215 masked %eq3A_4 : memref<128xf32, #tpu.memory_space<vmem>>[vector<16xi32>], vector<16xf32>, vector<16xi1>
        %scan3A_217 = arith.constant 2 : i32
        %scan3A_218 = arith.addi %scan3A_109, %scan3A_217 : i32
        %get3A_219 = arith.index_cast %scan3A_218 : i32 to index
        %get3A_220 = arith.constant 0 : index
        %get3A_221 = tpu.vector_load %arg10[%get3A_219, %get3A_220] {strides = array<i32>} : memref<128x64xi32, #tpu.memory_space<vmem>>, vector<16xi32>,
        %bitcast3A_222 = vector.bitcast %get3A_221 : vector<16xi32> to vector<32xbf16>
        %get3A_223 = arith.index_cast %scan3A_218 : i32 to index
        %get3A_224 = arith.constant 0 : index
        %get3A_225 = tpu.vector_load %arg12[%get3A_223, %get3A_224] {strides = array<i32>} : memref<128x64xi32, #tpu.memory_space<vmem>>, vector<16xi32>,
        %bitcast3A_226 = vector.bitcast %get3A_225 : vector<16xi32> to vector<32xbf16>
        %mul3A_227 = arith.mulf %bitcast3A_222, %bitcast3A_226 : vector<32xbf16>
        %unpack3A_228 = tpu.unpack_subelements %mul3A_227, 0 {pack_format = #tpu.pack_format<interleaved>} : vector<32xbf16> -> vector<16xf32>
        %unpack3A_229 = tpu.unpack_subelements %mul3A_227, 1 {pack_format = #tpu.pack_format<interleaved>} : vector<32xbf16> -> vector<16xf32>
        %add3A_230 = arith.addf %unpack3A_228, %unpack3A_229 : vector<16xf32>
        %get3A_231 = arith.index_cast %scan3A_218 : i32 to index
        %get3A_232 = arith.constant 16 : index
        %get3A_233 = tpu.vector_load %arg10[%get3A_231, %get3A_232] {strides = array<i32>} : memref<128x64xi32, #tpu.memory_space<vmem>>, vector<16xi32>,
        %bitcast3A_234 = vector.bitcast %get3A_233 : vector<16xi32> to vector<32xbf16>
        %get3A_235 = arith.index_cast %scan3A_218 : i32 to index
        %get3A_236 = arith.constant 16 : index
        %get3A_237 = tpu.vector_load %arg12[%get3A_235, %get3A_236] {strides = array<i32>} : memref<128x64xi32, #tpu.memory_space<vmem>>, vector<16xi32>,
        %bitcast3A_238 = vector.bitcast %get3A_237 : vector<16xi32> to vector<32xbf16>
        %mul3A_239 = arith.mulf %bitcast3A_234, %bitcast3A_238 : vector<32xbf16>
        %unpack3A_240 = tpu.unpack_subelements %mul3A_239, 0 {pack_format = #tpu.pack_format<interleaved>} : vector<32xbf16> -> vector<16xf32>
        %unpack3A_241 = tpu.unpack_subelements %mul3A_239, 1 {pack_format = #tpu.pack_format<interleaved>} : vector<32xbf16> -> vector<16xf32>
        %add3A_242 = arith.addf %unpack3A_240, %unpack3A_241 : vector<16xf32>
        %get3A_243 = arith.index_cast %scan3A_218 : i32 to index
        %get3A_244 = arith.constant 32 : index
        %get3A_245 = tpu.vector_load %arg10[%get3A_243, %get3A_244] {strides = array<i32>} : memref<128x64xi32, #tpu.memory_space<vmem>>, vector<16xi32>,
        %bitcast3A_246 = vector.bitcast %get3A_245 : vector<16xi32> to vector<32xbf16>
        %get3A_247 = arith.index_cast %scan3A_218 : i32 to index
        %get3A_248 = arith.constant 32 : index
        %get3A_249 = tpu.vector_load %arg12[%get3A_247, %get3A_248] {strides = array<i32>} : memref<128x64xi32, #tpu.memory_space<vmem>>, vector<16xi32>,
        %bitcast3A_250 = vector.bitcast %get3A_249 : vector<16xi32> to vector<32xbf16>
        %mul3A_251 = arith.mulf %bitcast3A_246, %bitcast3A_250 : vector<32xbf16>
        %unpack3A_252 = tpu.unpack_subelements %mul3A_251, 0 {pack_format = #tpu.pack_format<interleaved>} : vector<32xbf16> -> vector<16xf32>
        %unpack3A_253 = tpu.unpack_subelements %mul3A_251, 1 {pack_format = #tpu.pack_format<interleaved>} : vector<32xbf16> -> vector<16xf32>
        %add3A_254 = arith.addf %unpack3A_252, %unpack3A_253 : vector<16xf32>
        %get3A_255 = arith.index_cast %scan3A_218 : i32 to index
        %get3A_256 = arith.constant 48 : index
        %get3A_257 = tpu.vector_load %arg10[%get3A_255, %get3A_256] {strides = array<i32>} : memref<128x64xi32, #tpu.memory_space<vmem>>, vector<16xi32>,
        %bitcast3A_258 = vector.bitcast %get3A_257 : vector<16xi32> to vector<32xbf16>
        %get3A_259 = arith.index_cast %scan3A_218 : i32 to index
        %get3A_260 = arith.constant 48 : index
        %get3A_261 = tpu.vector_load %arg12[%get3A_259, %get3A_260] {strides = array<i32>} : memref<128x64xi32, #tpu.memory_space<vmem>>, vector<16xi32>,
        %bitcast3A_262 = vector.bitcast %get3A_261 : vector<16xi32> to vector<32xbf16>
        %mul3A_263 = arith.mulf %bitcast3A_258, %bitcast3A_262 : vector<32xbf16>
        %unpack3A_264 = tpu.unpack_subelements %mul3A_263, 0 {pack_format = #tpu.pack_format<interleaved>} : vector<32xbf16> -> vector<16xf32>
        %unpack3A_265 = tpu.unpack_subelements %mul3A_263, 1 {pack_format = #tpu.pack_format<interleaved>} : vector<32xbf16> -> vector<16xf32>
        %add3A_266 = arith.addf %unpack3A_264, %unpack3A_265 : vector<16xf32>
        %add3A_267 = arith.addf %add3A_230, %add3A_242 : vector<16xf32>
        %add3A_268 = arith.addf %add3A_254, %add3A_266 : vector<16xf32>
        %add3A_269 = arith.addf %add3A_267, %add3A_268 : vector<16xf32>
        %broadcast_in_dim3A_270 = arith.constant true
        %broadcast_in_dim3A_271 = vector.broadcast %broadcast_in_dim3A_270 : i1 to vector<16xi1>
        %masked_cumsum3A_272 = tpu.scan <sum>, %add3A_269 masked %broadcast_in_dim3A_271 : vector<16xf32>, vector<16xi1> -> vector<16xf32>
        %broadcast_in_dim3A_273 = vector.broadcast %scan3A_218 : i32 to vector<16xi32>
        tpu.vector_store_idx %arg14[%broadcast_in_dim3A_273], %masked_cumsum3A_272 masked %eq3A_4 : memref<128xf32, #tpu.memory_space<vmem>>[vector<16xi32>], vector<16xf32>, vector<16xi1>
        %scan3A_274 = arith.constant 3 : i32
        %scan3A_275 = arith.addi %scan3A_109, %scan3A_274 : i32
        %get3A_276 = arith.index_cast %scan3A_275 : i32 to index
        %get3A_277 = arith.constant 0 : index
        %get3A_278 = tpu.vector_load %arg10[%get3A_276, %get3A_277] {strides = array<i32>} : memref<128x64xi32, #tpu.memory_space<vmem>>, vector<16xi32>,
        %bitcast3A_279 = vector.bitcast %get3A_278 : vector<16xi32> to vector<32xbf16>
        %get3A_280 = arith.index_cast %scan3A_275 : i32 to index
        %get3A_281 = arith.constant 0 : index
        %get3A_282 = tpu.vector_load %arg12[%get3A_280, %get3A_281] {strides = array<i32>} : memref<128x64xi32, #tpu.memory_space<vmem>>, vector<16xi32>,
        %bitcast3A_283 = vector.bitcast %get3A_282 : vector<16xi32> to vector<32xbf16>
        %mul3A_284 = arith.mulf %bitcast3A_279, %bitcast3A_283 : vector<32xbf16>
        %unpack3A_285 = tpu.unpack_subelements %mul3A_284, 0 {pack_format = #tpu.pack_format<interleaved>} : vector<32xbf16> -> vector<16xf32>
        %unpack3A_286 = tpu.unpack_subelements %mul3A_284, 1 {pack_format = #tpu.pack_format<interleaved>} : vector<32xbf16> -> vector<16xf32>
        %add3A_287 = arith.addf %unpack3A_285, %unpack3A_286 : vector<16xf32>
        %get3A_288 = arith.index_cast %scan3A_275 : i32 to index
        %get3A_289 = arith.constant 16 : index
        %get3A_290 = tpu.vector_load %arg10[%get3A_288, %get3A_289] {strides = array<i32>} : memref<128x64xi32, #tpu.memory_space<vmem>>, vector<16xi32>,
        %bitcast3A_291 = vector.bitcast %get3A_290 : vector<16xi32> to vector<32xbf16>
        %get3A_292 = arith.index_cast %scan3A_275 : i32 to index
        %get3A_293 = arith.constant 16 : index
        %get3A_294 = tpu.vector_load %arg12[%get3A_292, %get3A_293] {strides = array<i32>} : memref<128x64xi32, #tpu.memory_space<vmem>>, vector<16xi32>,
        %bitcast3A_295 = vector.bitcast %get3A_294 : vector<16xi32> to vector<32xbf16>
        %mul3A_296 = arith.mulf %bitcast3A_291, %bitcast3A_295 : vector<32xbf16>
        %unpack3A_297 = tpu.unpack_subelements %mul3A_296, 0 {pack_format = #tpu.pack_format<interleaved>} : vector<32xbf16> -> vector<16xf32>
        %unpack3A_298 = tpu.unpack_subelements %mul3A_296, 1 {pack_format = #tpu.pack_format<interleaved>} : vector<32xbf16> -> vector<16xf32>
        %add3A_299 = arith.addf %unpack3A_297, %unpack3A_298 : vector<16xf32>
        %get3A_300 = arith.index_cast %scan3A_275 : i32 to index
        %get3A_301 = arith.constant 32 : index
        %get3A_302 = tpu.vector_load %arg10[%get3A_300, %get3A_301] {strides = array<i32>} : memref<128x64xi32, #tpu.memory_space<vmem>>, vector<16xi32>,
        %bitcast3A_303 = vector.bitcast %get3A_302 : vector<16xi32> to vector<32xbf16>
        %get3A_304 = arith.index_cast %scan3A_275 : i32 to index
        %get3A_305 = arith.constant 32 : index
        %get3A_306 = tpu.vector_load %arg12[%get3A_304, %get3A_305] {strides = array<i32>} : memref<128x64xi32, #tpu.memory_space<vmem>>, vector<16xi32>,
        %bitcast3A_307 = vector.bitcast %get3A_306 : vector<16xi32> to vector<32xbf16>
        %mul3A_308 = arith.mulf %bitcast3A_303, %bitcast3A_307 : vector<32xbf16>
        %unpack3A_309 = tpu.unpack_subelements %mul3A_308, 0 {pack_format = #tpu.pack_format<interleaved>} : vector<32xbf16> -> vector<16xf32>
        %unpack3A_310 = tpu.unpack_subelements %mul3A_308, 1 {pack_format = #tpu.pack_format<interleaved>} : vector<32xbf16> -> vector<16xf32>
        %add3A_311 = arith.addf %unpack3A_309, %unpack3A_310 : vector<16xf32>
        %get3A_312 = arith.index_cast %scan3A_275 : i32 to index
        %get3A_313 = arith.constant 48 : index
        %get3A_314 = tpu.vector_load %arg10[%get3A_312, %get3A_313] {strides = array<i32>} : memref<128x64xi32, #tpu.memory_space<vmem>>, vector<16xi32>,
        %bitcast3A_315 = vector.bitcast %get3A_314 : vector<16xi32> to vector<32xbf16>
        %get3A_316 = arith.index_cast %scan3A_275 : i32 to index
        %get3A_317 = arith.constant 48 : index
        %get3A_318 = tpu.vector_load %arg12[%get3A_316, %get3A_317] {strides = array<i32>} : memref<128x64xi32, #tpu.memory_space<vmem>>, vector<16xi32>,
        %bitcast3A_319 = vector.bitcast %get3A_318 : vector<16xi32> to vector<32xbf16>
        %mul3A_320 = arith.mulf %bitcast3A_315, %bitcast3A_319 : vector<32xbf16>
        %unpack3A_321 = tpu.unpack_subelements %mul3A_320, 0 {pack_format = #tpu.pack_format<interleaved>} : vector<32xbf16> -> vector<16xf32>
        %unpack3A_322 = tpu.unpack_subelements %mul3A_320, 1 {pack_format = #tpu.pack_format<interleaved>} : vector<32xbf16> -> vector<16xf32>
        %add3A_323 = arith.addf %unpack3A_321, %unpack3A_322 : vector<16xf32>
        %add3A_324 = arith.addf %add3A_287, %add3A_299 : vector<16xf32>
        %add3A_325 = arith.addf %add3A_311, %add3A_323 : vector<16xf32>
        %add3A_326 = arith.addf %add3A_324, %add3A_325 : vector<16xf32>
        %broadcast_in_dim3A_327 = arith.constant true
        %broadcast_in_dim3A_328 = vector.broadcast %broadcast_in_dim3A_327 : i1 to vector<16xi1>
        %masked_cumsum3A_329 = tpu.scan <sum>, %add3A_326 masked %broadcast_in_dim3A_328 : vector<16xf32>, vector<16xi1> -> vector<16xf32>
        %broadcast_in_dim3A_330 = vector.broadcast %scan3A_275 : i32 to vector<16xi32>
        tpu.vector_store_idx %arg14[%broadcast_in_dim3A_330], %masked_cumsum3A_329 masked %eq3A_4 : memref<128xf32, #tpu.memory_space<vmem>>[vector<16xi32>], vector<16xf32>, vector<16xi1>
      }
      %scan3A_95 = arith.constant 128 : i32
      %add3A_96 = arith.constant 2 : i32
      %add3A_97 = arith.addi %add3A_74, %add3A_96 : i32
      %lt3A_98 = arith.constant 80 : i32
      %lt3A_99 = arith.cmpi slt, %add3A_97, %lt3A_98 : i32
      %convert_element_type3A_100 = arith.extui %lt3A_99 : i1 to i32
      %cond3A_101 = arith.constant 0 : i32
      %cond3A_102 = arith.cmpi ne, %convert_element_type3A_100, %cond3A_101 : i32
      scf.if %cond3A_102 {
        %add3A_109 = arith.constant 2 : i32
        %add3A_110 = arith.addi %add3A_74, %add3A_109 : i32
        %mul3A_111 = arith.constant 128 : i32
        %mul3A_112 = arith.muli %add3A_110, %mul3A_111 : i32
        %multiple_of3A_113 = tpu.assume_multiple %mul3A_112, 128 : i32
        %dma_start3A_114 = tpu.memref_slice %arg7[%multiple_of3A_113] : memref<10240xi32, #tpu.memory_space<vmem>> -> memref<128xi32, #tpu.memory_space<vmem>>
        %dma_start3A_115 = arith.constant 0 : i32
        %dma_start3A_116 = arith.constant 0 : i32
        %dma_start3A_117 = tpu.memref_slice %arg4[%dma_start3A_115, %dma_start3A_116] : memref<10000x64xi32, #tpu.memory_space<hbm>> -> memref<10000x64xi32, #tpu.memory_space<hbm>>
        tpu.enqueue_indirect_dma source(%dma_start3A_117 : memref<10000x64xi32, #tpu.memory_space<hbm>>) target(%arg10 : memref<128x64xi32, #tpu.memory_space<vmem>>) offsets(%dma_start3A_114 : memref<128xi32, #tpu.memory_space<vmem>>) semaphore(%arg16 : memref<!tpu.dma_semaphore, #tpu.memory_space<semaphore_mem>>)
        %dma_start3A_118 = tpu.memref_slice %arg8[%multiple_of3A_113] : memref<10240xi32, #tpu.memory_space<vmem>> -> memref<128xi32, #tpu.memory_space<vmem>>
        %dma_start3A_119 = arith.constant 0 : i32
        %dma_start3A_120 = arith.constant 0 : i32
        %dma_start3A_121 = tpu.memref_slice %arg5[%dma_start3A_119, %dma_start3A_120] : memref<10000x64xi32, #tpu.memory_space<hbm>> -> memref<10000x64xi32, #tpu.memory_space<hbm>>
        tpu.enqueue_indirect_dma source(%dma_start3A_121 : memref<10000x64xi32, #tpu.memory_space<hbm>>) target(%arg12 : memref<128x64xi32, #tpu.memory_space<vmem>>) offsets(%dma_start3A_118 : memref<128xi32, #tpu.memory_space<vmem>>) semaphore(%arg16 : memref<!tpu.dma_semaphore, #tpu.memory_space<semaphore_mem>>)
      } else {
      }
      %mul3A_103 = arith.constant 128 : i32
      %mul3A_104 = arith.muli %add3A_74, %mul3A_103 : i32
      %add3A_105 = arith.addi %multiple_of3A, %mul3A_104 : i32
      %multiple_of3A_106 = tpu.assume_multiple %add3A_105, 128 : i32
      %dma_start3A_107 = tpu.memref_slice %arg6[%multiple_of3A_106] : memref<327680xf32, #tpu.memory_space<hbm>> -> memref<128xf32, #tpu.memory_space<hbm>>
      %dma_start3A_108 = tpu.memref_slice %arg6[%multiple_of3A_106] : memref<327680xf32, #tpu.memory_space<hbm>> -> memref<128xf32, #tpu.memory_space<hbm>>
      tpu.enqueue_dma source(%arg14 : memref<128xf32, #tpu.memory_space<vmem>>) target(%dma_start3A_108 : memref<128xf32, #tpu.memory_space<hbm>>) target_semaphore(%arg18 : memref<!tpu.dma_semaphore, #tpu.memory_space<semaphore_mem>>)
    }
    %scan3A_28 = arith.constant 40 : i32
    %dma_wait3A = arith.constant 0 : i32
    %dma_wait3A_29 = tpu.memref_slice %arg6[%dma_wait3A] : memref<327680xf32, #tpu.memory_space<hbm>> -> memref<128xf32, #tpu.memory_space<hbm>>
    %dma_wait3A_30 = arith.constant 0 : i32
    %dma_wait3A_31 = tpu.memref_slice %arg6[%dma_wait3A_30] : memref<327680xf32, #tpu.memory_space<hbm>> -> memref<128xf32, #tpu.memory_space<hbm>>
    tpu.wait_dma2 semaphore(%arg17 : memref<!tpu.dma_semaphore, #tpu.memory_space<semaphore_mem>>) src(%arg13 : memref<128xf32, #tpu.memory_space<vmem>>) dst(%dma_wait3A_31 : memref<128xf32, #tpu.memory_space<hbm>>)
    %dma_wait3A_32 = arith.constant 0 : i32
    %dma_wait3A_33 = tpu.memref_slice %arg6[%dma_wait3A_32] : memref<327680xf32, #tpu.memory_space<hbm>> -> memref<128xf32, #tpu.memory_space<hbm>>
    %dma_wait3A_34 = arith.constant 0 : i32
    %dma_wait3A_35 = tpu.memref_slice %arg6[%dma_wait3A_34] : memref<327680xf32, #tpu.memory_space<hbm>> -> memref<128xf32, #tpu.memory_space<hbm>>
    tpu.wait_dma2 semaphore(%arg18 : memref<!tpu.dma_semaphore, #tpu.memory_space<semaphore_mem>>) src(%arg14 : memref<128xf32, #tpu.memory_space<vmem>>) dst(%dma_wait3A_35 : memref<128xf32, #tpu.memory_space<hbm>>)
    return
  }
}

</mosaic_0001>

<sc_bundles>
// kernel: kernel.3.cloned.1.call-start
scs
__scs_entry_jumppad:
0x0: {  	(pc) =	sbr.rel $0x88, $3  }
0x1: {  	(tag) =	ssettag $0x0;
	lr =	simm.s32 $0x1  }
0x2: {  	[smem:$0x3F9E] =	sst lr;
	_ =	strace $0xD0000000  }
0x3: {  	_ = 	snop  }
0x4: {  	_ = 	snop  }
0x5: {  	_ = 	snop  }
0x6: {  	_ = 	snop  }
0x7: {  	_ = 	snop  }
__scs_overlays_trampoline_lowered:
0x8: {  	[smem:$0x3FAD] =	sst s0  }
0x9: {  	[smem:$0x3FAE] =	sst s1  }
0xa: {  	[smem:$0x3FAF] =	sst s2  }
0xb: {  	[smem:$0x3FB0] =	sst s3  }
0xc: {  	[smem:$0x3FB1] =	sst s4  }
0xd: {  	[smem:$0x3FB2] =	sst s5  }
0xe: {  	[smem:$0x3FB3] =	sst s6  }
0xf: {  	[smem:$0x3FB4] =	sst s7  }
0x10: {  	[smem:$0x3FB5] =	sst s8  }
0x11: {  	[smem:$0x3FB6] =	sst s9;
	s0 =	simm.s32 @!p0 $0x0  }
0x12: {  	s1 =	sld [smem:$0x3F9C];
	s0 =	simm.s32 @p0 $0x1  }
0x13: {  	[smem:$0x3FB7] =	sst s0;
	s0 =	simm.s32 @!p1 $0x0  }
0x14: {  	s2 =	sld [smem:$0x3F9B];
	s0 =	simm.s32 @p1 $0x1  }
0x15: {  	[smem:$0x3FB8] =	sst s0;
	s0 =	simm.s32 @!p2 $0x0  }
0x16: {  	s3 =	sld [smem:$0x3FDB];
	s0 =	simm.s32 @p2 $0x1  }
0x17: {  	s4 =	simm.s32 $0x1BF5;
	[smem:$0x3FBA] =	sst s0  }
0x18: {  	s0 =	sld [smem:$0x3F9D];
	_ =	swait.ge [sflag:s4], $0x0  }
0x19: {  	s7 =	sld [smem:$0x3F9E]  }
0x1a: {  	s8 =	sadd.s32 $0xFFFFE003, lr  }
0x1b: {  	s9 =	sadd.s32 $0xFFFFFEF7, lr;
	s5 =	simm.s32 $0xFFFFFFFF;
	p2 =	slt.u32 s8, $0xFFFFF086  }
0x1c: {  	p1 =	slt.u32 s9, $0xF7A;
	s5 =	simm.s32 @!p2 $0x0  }
0x1d: {  	s5 =	simm.s32 @p1 $0x1;
	p0 =	seq.s32 s7, s2  }
0x1e: {  	s7 =	smul.u32 @!p0 $0xF7A, s2;
	p2 =	seq.s32 @!p0 s5, $0x0  }
0x1f: {  	s9 =	smul.u32 $0xF7A, s1;
	s8 =	simm.s32 @!p0 $0x1BF5;
	p2 =	por !p2, p0  }
0x20: {  	[sflag:s8] =	ssyncset.s32 @!p0 $0xFFFFF086;
	s6 =	sadd.s32 @!p0 s3, s7;
	s7 =	simm.s32 @!p0 $0x108  }
0x21: {  	s3 =	sadd.s32 s3, s9;
	s6 =	sadd.s32 @!p0 $0x88, s6;
	s7 =	simm.s32 @p2 $0x1082  }
0x22: {  	[simem:s7], [sflag:s8] =	dma.local @!p0 [hbm:s6], $0xF7A  }
0x23: {  	s9 =	sor.u32 $0xD0000000, s2;
	s6 =	simm.s32 $0x108;
	_ =	swait.ge @!p0 [sflag:s8], $0x0  }
0x24: {  	s3 =	sadd.s32 $0x88, s3;
	s6 =	simm.s32 @!p1 $0x1082;
	[sflag:s4] =	ssyncset.s32 $0xFFFFF086  }
0x25: {  	[simem:s6], [sflag:s4] =	dma.local [hbm:s3], $0xF7A  }
0x26: {  	[smem:$0x3F9E] =	sst s1;
	(tag) =	ssettag s2;
	_ =	strace s9  }
0x27: {  	s1 =	sld [smem:$0x3FAE]  }
0x28: {  	s2 =	sld [smem:$0x3FAF]  }
0x29: {  	s4 =	sld [smem:$0x3FB1]  }
0x2a: {  	p0 =	seq.s32 s5, $0x0;
	s5 =	sld [smem:$0x3FB2]  }
0x2b: {  	s6 =	sld [smem:$0x3FB3]  }
0x2c: {  	s7 =	sld [smem:$0x3FB4]  }
0x2d: {  	s3 =	simm.s32 $0x108;
	s8 =	sld [smem:$0x3FB5]  }
0x2e: {  	s3 =	simm.s32 @!p0 $0x1082;
	s9 =	sld [smem:$0x3FB6]  }
0x2f: {  	lr =	sadd.s32 s0, s3;
	s0 =	sld [smem:$0x3FAD]  }
0x30: {  	s3 =	sld [smem:$0x3FB0]  }
0x31: {  	[smem:$0x3FB9] =	sst s10  }
0x32: {  	s10 =	sld [smem:$0x3FB7];
	_ =	sdelay $0x3  }
0x33: {  	p0 =	seq.s32 s10, $0x1;
	s10 =	sld [smem:$0x3FB9];
	_ =	sdelay $0x3  }
0x34: {  	[smem:$0x3FB9] =	sst s10  }
0x35: {  	s10 =	sld [smem:$0x3FB8];
	_ =	sdelay $0x3  }
0x36: {  	p1 =	seq.s32 s10, $0x1;
	s10 =	sld [smem:$0x3FB9];
	_ =	sdelay $0x3  }
0x37: {  	[smem:$0x3FB9] =	sst s10  }
0x38: {  	s10 =	sld [smem:$0x3FBA]  }
0x39: {  	_ = 	snop;
	(pc) =	sbr.ind lr, $3  }
0x3a: {  	_ = 	snop  }
0x3b: {  	_ = 	snop  }
0x3c: {  	p2 =	seq.s32 s10, $0x1;
	s10 =	sld [smem:$0x3FB9]  }
0x3d: {  	_ =	shalt  }
0x3e: {  	_ =	shalt  }
0x3f: {  	_ =	shalt  }
0x40: {  	_ =	shalt  }
0x41: {  	_ =	shalt  }
0x42: {  	_ =	shalt  }
0x43: {  	_ =	shalt  }
0x44: {  	_ =	shalt  }
0x45: {  	_ =	shalt  }
0x46: {  	_ =	shalt  }
0x47: {  	_ =	shalt  }
0x48: {  	_ =	shalt  }
0x49: {  	_ =	shalt  }
0x4a: {  	_ =	shalt  }
0x4b: {  	_ =	shalt  }
0x4c: {  	_ =	shalt  }
0x4d: {  	_ =	shalt  }
0x4e: {  	_ =	shalt  }
0x4f: {  	_ =	shalt  }
0x50: {  	_ =	shalt  }
0x51: {  	_ =	shalt  }
0x52: {  	_ =	shalt  }
0x53: {  	_ =	shalt  }
0x54: {  	_ =	shalt  }
0x55: {  	_ =	shalt  }
0x56: {  	_ =	shalt  }
0x57: {  	_ =	shalt  }
0x58: {  	_ =	shalt  }
0x59: {  	_ =	shalt  }
0x5a: {  	_ =	shalt  }
0x5b: {  	_ =	shalt  }
0x5c: {  	_ =	shalt  }
0x5d: {  	_ =	shalt  }
0x5e: {  	_ =	shalt  }
0x5f: {  	_ =	shalt  }
0x60: {  	_ =	shalt  }
0x61: {  	_ =	shalt  }
0x62: {  	_ =	shalt  }
0x63: {  	_ =	shalt  }
0x64: {  	_ =	shalt  }
0x65: {  	_ =	shalt  }
0x66: {  	_ =	shalt  }
0x67: {  	_ =	shalt  }
0x68: {  	_ =	shalt  }
0x69: {  	_ =	shalt  }
0x6a: {  	_ =	shalt  }
0x6b: {  	_ =	shalt  }
0x6c: {  	_ =	shalt  }
0x6d: {  	_ =	shalt  }
0x6e: {  	_ =	shalt  }
0x6f: {  	_ =	shalt  }
0x70: {  	_ =	shalt  }
0x71: {  	_ =	shalt  }
0x72: {  	_ =	shalt  }
0x73: {  	_ =	shalt  }
0x74: {  	_ =	shalt  }
0x75: {  	_ =	shalt  }
0x76: {  	_ =	shalt  }
0x77: {  	_ =	shalt  }
0x78: {  	_ =	shalt  }
0x79: {  	_ =	shalt  }
0x7a: {  	_ =	shalt  }
0x7b: {  	_ =	shalt  }
0x7c: {  	_ =	shalt  }
0x7d: {  	_ =	shalt  }
0x7e: {  	_ =	shalt  }
0x7f: {  	_ =	shalt  }
0x80: {  	_ =	shalt  }
0x81: {  	_ =	shalt  }
0x82: {  	_ =	shalt  }
0x83: {  	_ =	shalt  }
0x84: {  	_ =	shalt  }
0x85: {  	_ =	shalt  }
0x86: {  	_ =	shalt  }
0x87: {  	_ =	shalt  }
.Lfunc_end0:
.L_simem_size_0:
called_computation_lowered:
.L_overlay_start_0:
0x88: {  	s2 =	sld [smem:$0x3FD9]  }
0x89: {  	s3 =	sld [smem:$0x3FFE];
	_ =	sdelay $0x1  }
0x8a: {  	s1 =	srdreg.scid  }
0x8b: {  	s0 =	sand.u32 $0x1, s1  }
0x8c: {  	s16 =	sshll.u32 s0, $0xA;
	s2 =	sadd.s32 s3, s2  }
0x8d: {  	s2 =	sadd.s32 s2, s16  }
0x8e: {  	[smem:$0x3FC5] =	sst s2  }
0x8f: {  	_ = 	snop  }
0x90: {  	(tm) =	ssettm $0x1  }
0x91: {  	s17 =	sld [smem:$0x3FFB];
	_ =	sdelay $0x3  }
0x92: {  	_ =	strace s17  }
0x93: {  	s2 =	sld [smem:$0x3FFC];
	_ =	sdelay $0x3  }
0x94: {  	_ =	strace s2  }
0x95: {  	s2 =	sld [smem:$0x3FFD];
	_ =	sdelay $0x3  }
0x96: {  	_ =	strace s2  }
0x97: {  	_ =	strace $0x8FFFFFFF  }
0x98: {  	s18 =	sld [smem:$0x3FDB];
	_ =	sdelay $0x1  }
0x99: {  	s19 =	simm.s32 $_scs_section_size  }
0x9a: {  	s4 =	simm.s32 $_size__tile_overlayer_lowered;
	s5 =	simm.s32 $_tile_overlayer_lowered  }
0x9b: {  	s22 =	simm.s32 $0x1BFF;
	s21 =	sshll.u32 s5, $0x1;
	s2 =	sadd.s32 s19, s18  }
0x9c: {  	s6 =	simm.s32 $0x0;
	s20 =	sshll.u32 s4, $0x1;
	s4 =	sadd.s32 s21, s2  }
0x9d: {  	[timem:s6], [sflag:s22] =	dma.local [hbm:s4], s20  }
0x9e: {  	_ =	swait.ge [sflag:s22], s20  }
0x9f: {  	s3 =	ssub.s32 $0x0, s20;
	[sflag:s22] =	ssyncset.done $0x0  }
0xa0: {  	[sflag:s22] =	ssyncadd.s32 s3;
	_ =	sdelay $0x1  }
0xa1: {  	s23 =	simm.s32 $0x1B8B  }
0xa2: {  	_ =	swait.ge [sflag:s23], $0x1  }
0xa3: {  	[sflag:s23] =	ssyncset.done $0x0  }
0xa4: {  	s25 =	simm.s32 $0x1B8E;
	s24 =	sld [smem:$0x3FFE];
	[sflag:s23] =	ssyncadd.s32 $0xFFFFFFFF  }
0xa5: {  	s26 =	simm.s32 $execute0_lowered;
	[smem:$0x3FD2] =	sst s25  }
0xa6: {  	s4 =	sshll.u32 s26, $0x1;
	_ =	strace $0x80000046;
	[dreg:$0x1] =	wrdreg $0xFFFFFFFF  }
0xa7: {  	s28 =	simm.s32 $_size_execute0_lowered;
	s2 =	sadd.s32 s2, s4;
	[dreg:$0x0] =	wrdreg $0x0  }
0xa8: {  	s4 =	sshll.u32 s28, $0x1;
	[dreg:$0x2] =	wrdreg s2  }
0xa9: {  	[dreg:$0x3] =	wrdreg s4  }
0xaa: {  	[dreg:$0x4] =	wrdreg $0xC0  }
0xab: {  	_ =	task [dreg:s6], $0x5FFFF  }
0xac: {  	[dreg:$0x1] =	wrdreg $0xFFFFFFFF  }
0xad: {  	[dreg:$0x0] =	wrdreg $0x60  }
0xae: {  	[dreg:$0x2] =	wrdreg s24  }
0xaf: {  	[dreg:$0x3] =	wrdreg $0x9  }
0xb0: {  	_ =	task.clear_ibuf [dreg:s6], $0x4FFFF;
	_ =	strace $0x90000046  }
0xb1: {  	s29 =	simm.s32 $0x9;
	_ =	strace $0x80000048  }
0xb2: {  	_ =	swait.ge [sflag:s29], $0x1  }
0xb3: {  	[sflag:s29] =	ssyncadd.s32 $0xFFFFFFFF  }
0xb4: {  	_ =	strace $0x90000048  }
0xb5: {  	_ =	sfence  }
0xb6: {  	s30 =	sld [smem:$0x0];
	_ =	sdelay $0x2  }
0xb7: {  	s31 =	sshll.u32 s1, $0xD;
	s1 =	sshrl.u32 s1, $0x2  }
0xb8: {  	s3 =	sand.u32 $0x4000, s31;
	s1 =	sadd.s32 s1, s30  }
0xb9: {  	s0 =	sor.u32 s3, s0;
	s1 =	sshll.u32 s1, $0x11  }
0xba: {  	s0 =	sor.u32 s1, s0  }
0xbb: {  	s0 =	sadd.s32 $0x8F2B, s0  }
0xbc: {  	[sflag:s0] =	ssyncadd.remote.s32 $0x1  }
0xbd: {  	_ =	sfence.sel $0xFFFF  }
0xbe: {  	[dreg:$0x0] =	wrdreg $0xFFFFFFFF;
	(pc) =	sbr.abs _section_cstart, $3  }
0xbf: {  	[dreg:$0x1] =	wrdreg $0xFFFFFFFF  }
0xc0: {  	_ =	task.clear_ibuf [dreg:s6], $0x2FFFF;
	_ =	strace $0x9FFFFFFF  }
0xc1: {  	(tm) =	ssettm $0x7FFFFFFF  }
tec
execute0_lowered:
.L_overlay_start_1:
0x0: {  	(tag) =	ssettag $0x1  }
0x1: {  	s1 =	srdreg.scid;
	s0 =	stileid.u32  }
0x2: {  	s7 =	rddreg [dreg:$0x0];
	s2 =	simm.s32 $0x0;
	s11 =	simm.s32 $0x5  }
0x3: {  	s12 =	simm.s32 $0x2800;
	s13 =	simm.s32 $0x80;
	s15 =	simm.s32 $0x9000  }
0x4: {  	s16 =	simm.s32 $0x7000;
	s17 =	simm.s32 $0x2880;
	s18 =	simm.s32 $0xB000  }
0x5: {  	s19 =	simm.s32 $0x1;
	s20 =	simm.s32 $0xD000;
	s21 =	simm.s32 $0x2  }
0x6: {  	s22 =	simm.s32 $0xD080;
	s1 =	sand.u32 $0x1, s1;
	s3 =	sshll.u32 s0, $0x1  }
0x7: {  	s23 =	simm.s32 $0x3;
	s24 =	simm.s32 $0x4;
	s3 =	sor.u32 s1, s3  }
0x8: {  	s25 =	simm.s32 $0x0;
	[smem:$0x7FF] =	sst s2;
	s3 =	smul.u32 $0x2800, s3  }
0x9: {  	s4 =	sadd.s32 $0x14000, s7;
	s5 =	sadd.s32 $0x27A00, s7;
	s1 =	ssub.s32 $0x2, s1  }
0xa: {  	s6 =	sadd.s32 $0x3B400, s7;
	s8 =	sshrl.u32 s1, $0x1;
	s9 =	sshrl.u32 s3, $0x3  }
0xb: {  	_ =	strace $0x80000047;
	s1 =	ssub.s32 s1, s8;
	s7 =	sadd.s32 s7, s9  }
0xc: {  	vm0 =	vcmask $0x3F3C;
	s10 =	smax.u32 s1, $0x1;
	s9 =	sor.u32 $0x80, s3;
	s8 =	sadd.s32 $0xA000, s7  }
.LBB2_1:
0xd: {  	[tilespmem:s2], [sflag:$0x5] =	stream.linear.gather [hbm4b:s8+s2], $0x2800, $0x38;
	[tilespmem:$0xD100] =	vst v63  }
0xe: {  	_ =	swait.ge [sflag:s11], $0x2800  }
0xf: {  	[sflag:s11] =	ssyncset.done $0x0  }
0x10: {  	[sflag:s11] =	ssyncadd.s32 $0xFFFFD800  }
0x11: {  	[tilespmem:s12], [sflag:$0x5] =	stream.linear.gather [hbm4b:s7+s2], $0x2800, $0x38;
	[tilespmem:$0xD100] =	vst v63  }
0x12: {  	_ =	swait.ge [sflag:s11], $0x2800  }
0x13: {  	[sflag:s11] =	ssyncset.done $0x0  }
0x14: {  	s0 =	simm.s32 $0x5000;
	[sflag:s11] =	ssyncadd.s32 $0xFFFFD800  }
0x15: {  	[tilespmem:s0], [sflag:$0x1] =	stream.indirect.gather [hbm4b:s4+s13], $0x40, s2, s13, $0xb8;
	[tilespmem:$0xD100] =	vst v63  }
0x16: {  	_ = 	snop  }
0x17: {  	[tilespmem:s15], [sflag:$0x1] =	stream.indirect.gather [hbm4b:s5+s13], $0x40, s12, s13, $0xb8;
	[tilespmem:$0xD100] =	vst v63  }
0x18: {  	_ = 	snop  }
0x19: {  	[tilespmem:s16], [sflag:$0x2] =	stream.indirect.gather [hbm4b:s4+s13], $0x40, s13, s13, $0xb8;
	[tilespmem:$0xD100] =	vst v63  }
0x1a: {  	s26 =	simm.s32 $0x0  }
0x1b: {  	[tilespmem:s18], [sflag:$0x2] =	stream.indirect.gather [hbm4b:s5+s13], $0x40, s17, s13, $0xb8;
	[tilespmem:$0xD100] =	vst v63  }
.LBB2_2:
0x1c: {  	_ =	swait.ge [sflag:s19], $0x2000  }
0x1d: {  	[sflag:s19] =	ssyncset.done $0x0  }
0x1e: {  	[sflag:s19] =	ssyncadd.s32 $0xFFFFE000  }
0x1f: {  	_ =	swait.ge [sflag:s19], $0x2000  }
0x20: {  	p1 =	seq.s32 s26, $0x0;
	[sflag:s19] =	ssyncset.done $0x0  }
0x21: {  	s1 =	simm.s32 @!p1 $0x3;
	[sflag:s19] =	ssyncadd.s32 $0xFFFFE000  }
0x22: {  	_ =	swait.ge @!p1 [sflag:s1], $0x80  }
0x23: {  	[sflag:s1] =	ssyncset.done @!p1 $0x0  }
0x24: {  	s29 =	simm.s32 $0x5080;
	[sflag:s1] =	ssyncadd.s32 @!p1 $0xFFFFFF80  }
0x25: {  	s30 =	simm.s32 $0x9080;
	v0 =	vld [tilespmem:s29+$0xFFFFFFA0]  }
0x26: {  	v1 =	vld [tilespmem:s30+$0xFFFFFFA0]  }
0x27: {  	v2 =	vld [tilespmem:s29+$0xFFFFFFB0]  }
0x28: {  	v3 =	vld [tilespmem:s30+$0xFFFFFFB0]  }
0x29: {  	v4 =	vld [tilespmem:s29+$0xFFFFFF80]  }
0x2a: {  	v5 =	vld [tilespmem:s30+$0xFFFFFF90]  }
0x2b: {  	v6 =	vld [tilespmem:s29+$0xFFFFFF90]  }
0x2c: {  	v7 =	vld [tilespmem:s30+$0xFFFFFF80];
	_ =	sdelay $0x2  }
0x2d: {  	v2 =	vmul.bf16 v3, v2  }
0x2e: {  	v0 =	vmul.bf16 v1, v0  }
0x2f: {  	v3 =	vmul.bf16 v5, v6;
	v4 =	vmul.bf16 v7, v4;
	v1 =	vunpack.i.u.bf16.f32 v2  }
0x30: {  	v2 =	vunpack.i.l.bf16.f32 v2;
	v5 =	vunpack.i.u.bf16.f32 v0;
	v0 =	vunpack.i.l.bf16.f32 v0  }
0x31: {  	v0 =	vadd.f32 v0, v5;
	v1 =	vadd.f32 v2, v1;
	v2 =	vunpack.i.u.bf16.f32 v3  }
0x32: {  	v3 =	vunpack.i.l.bf16.f32 v3;
	v5 =	vunpack.i.u.bf16.f32 v4;
	v4 =	vunpack.i.l.bf16.f32 v4  }
0x33: {  	v2 =	vadd.f32 v3, v2;
	v3 =	vadd.f32 v4, v5;
	_ =	sdelay $0x1  }
0x34: {  	v0 =	vadd.f32 v1, v0;
	v2 =	vadd.f32 v2, v3;
	_ =	sdelay $0x1  }
0x35: {  	v0 =	vadd.f32 v0, v2;
	_ =	sdelay $0x1  }
0x36: {  	(xrf2) =	vadd.scan.msk.f32 $0xffff, v0;
	_ =	sdelay $0x1  }
0x37: {  	s31 =	simm.s32 $0x0  }
0x38: {  	v0 =	vmov s31  }
0x39: {  	v0 =	vand.u32 $0xFFFFFFFC, v0  }
0x3a: {  	v0 =	vbroadcast v0, $0x0;
	_ =	sdelay $0x4  }
0x3b: {  	v1, _, _ =	vpop (xrf2)  }
0x3c: {  	[tilespmem:v0+s20+$0x0] =	vst.idx.msk vm0, v1  }
0x3d: {  	v0 =	vld [tilespmem:s29+$0xFFFFFFC0]  }
0x3e: {  	v1 =	vld [tilespmem:s30+$0xFFFFFFC0]  }
0x3f: {  	v2 =	vld [tilespmem:s29+$0xFFFFFFD0]  }
0x40: {  	v3 =	vld [tilespmem:s30+$0xFFFFFFD0]  }
0x41: {  	v4 =	vld [tilespmem:s30+$0xFFFFFFF0]  }
0x42: {  	v5 =	vld [tilespmem:s30+$0xFFFFFFE0]  }
0x43: {  	v6 =	vld [tilespmem:s29+$0xFFFFFFF0]  }
0x44: {  	v7 =	vld [tilespmem:s29+$0xFFFFFFE0];
	_ =	sdelay $0x2  }
0x45: {  	v0 =	vmul.bf16 v1, v0  }
0x46: {  	v1 =	vmul.bf16 v3, v2  }
0x47: {  	v3 =	vmul.bf16 v4, v6;
	v5 =	vmul.bf16 v5, v7;
	v2 =	vunpack.i.u.bf16.f32 v0  }
0x48: {  	v0 =	vunpack.i.l.bf16.f32 v0;
	v4 =	vunpack.i.u.bf16.f32 v1;
	v1 =	vunpack.i.l.bf16.f32 v1  }
0x49: {  	v0 =	vadd.f32 v0, v2;
	v1 =	vadd.f32 v1, v4;
	v2 =	vunpack.i.u.bf16.f32 v3  }
0x4a: {  	v3 =	vunpack.i.l.bf16.f32 v3;
	v4 =	vunpack.i.u.bf16.f32 v5;
	v5 =	vunpack.i.l.bf16.f32 v5  }
0x4b: {  	v2 =	vadd.f32 v3, v2;
	v3 =	vadd.f32 v5, v4;
	_ =	sdelay $0x1  }
0x4c: {  	v0 =	vadd.f32 v1, v0;
	v1 =	vadd.f32 v2, v3;
	_ =	sdelay $0x1  }
0x4d: {  	v0 =	vadd.f32 v1, v0;
	_ =	sdelay $0x1  }
0x4e: {  	(xrf2) =	vadd.scan.msk.f32 $0xffff, v0;
	_ =	sdelay $0x1  }
0x4f: {  	s0 =	simm.s32 $0x1  }
0x50: {  	v0 =	vmov s0  }
0x51: {  	v0 =	vand.u32 $0xFFFFFFFD, v0  }
0x52: {  	v0 =	vbroadcast v0, $0x0;
	_ =	sdelay $0x4  }
0x53: {  	v1, _, _ =	vpop (xrf2)  }
0x54: {  	[tilespmem:v0+s20+$0x0] =	vst.idx.msk vm0, v1  }
0x55: {  	v0 =	vld [tilespmem:s29+$0x0]  }
0x56: {  	v1 =	vld [tilespmem:s30+$0x0]  }
0x57: {  	v2 =	vld [tilespmem:s29+$0x10]  }
0x58: {  	v3 =	vld [tilespmem:s30+$0x30]  }
0x59: {  	v4 =	vld [tilespmem:s30+$0x20]  }
0x5a: {  	v5 =	vld [tilespmem:s29+$0x30]  }
0x5b: {  	v6 =	vld [tilespmem:s29+$0x20]  }
0x5c: {  	v7 =	vld [tilespmem:s30+$0x10];
	_ =	sdelay $0x2  }
0x5d: {  	v0 =	vmul.bf16 v1, v0  }
0x5e: {  	v4 =	vmul.bf16 v4, v6  }
0x5f: {  	v1 =	vmul.bf16 v3, v5;
	v2 =	vmul.bf16 v7, v2;
	v3 =	vunpack.i.u.bf16.f32 v0  }
0x60: {  	v0 =	vunpack.i.l.bf16.f32 v0;
	v5 =	vunpack.i.u.bf16.f32 v4;
	v4 =	vunpack.i.l.bf16.f32 v4  }
0x61: {  	v0 =	vadd.f32 v0, v3;
	v3 =	vunpack.i.u.bf16.f32 v1;
	v1 =	vunpack.i.l.bf16.f32 v1  }
0x62: {  	v1 =	vadd.f32 v1, v3;
	v3 =	vunpack.i.u.bf16.f32 v2;
	v2 =	vunpack.i.l.bf16.f32 v2  }
0x63: {  	v4 =	vadd.f32 v4, v5;
	v2 =	vadd.f32 v2, v3;
	_ =	sdelay $0x1  }
0x64: {  	v1 =	vadd.f32 v1, v4;
	v0 =	vadd.f32 v2, v0;
	_ =	sdelay $0x1  }
0x65: {  	v0 =	vadd.f32 v1, v0;
	_ =	sdelay $0x1  }
0x66: {  	(xrf2) =	vadd.scan.msk.f32 $0xffff, v0;
	_ =	sdelay $0x1  }
0x67: {  	s14 =	simm.s32 $0x2  }
0x68: {  	v0 =	vmov s14  }
0x69: {  	v0 =	vand.u32 $0xFFFFFFFE, v0  }
0x6a: {  	v0 =	vbroadcast v0, $0x0;
	_ =	sdelay $0x4  }
0x6b: {  	v1, _, _ =	vpop (xrf2)  }
0x6c: {  	[tilespmem:v0+s20+$0x0] =	vst.idx.msk vm0, v1  }
0x6d: {  	v0 =	vld [tilespmem:s30+$0x50]  }
0x6e: {  	v4 =	vld [tilespmem:s30+$0x70]  }
0x6f: {  	v1 =	vld [tilespmem:s29+$0x50]  }
0x70: {  	v5 =	vld [tilespmem:s29+$0x60]  }
0x71: {  	v6 =	vld [tilespmem:s30+$0x60]  }
0x72: {  	v7 =	vld [tilespmem:s29+$0x70]  }
0x73: {  	v2 =	vld [tilespmem:s30+$0x40]  }
0x74: {  	v3 =	vld [tilespmem:s29+$0x40];
	v0 =	vmul.bf16 v0, v1;
	_ =	sdelay $0x1  }
0x75: {  	v8 =	vunpack.i.u.bf16.f32 v0;
	v0 =	vunpack.i.l.bf16.f32 v0  }
0x76: {  	s28 =	sshll.u32 s26, $0x8;
	s1 =	simm.s32 $0x4;
	v1 =	vmul.bf16 v6, v5;
	v4 =	vmul.bf16 v4, v7;
	v0 =	vadd.f32 v0, v8  }
.LBB2_3:
0x77: {  	p0 =	slt.u32 s1, $0x7C;
	s30 =	sadd.s32 $0x100, s30;
	s29 =	sadd.s32 $0x100, s29  }
0x78: {  	s0 =	smov.u32 s1;
	s1 =	sadd.s32 $0x4, s1;
	v2 =	vmul.bf16 v2, v3;
	v3 =	vunpack.i.u.bf16.f32 v4;
	v4 =	vunpack.i.l.bf16.f32 v4  }
0x79: {  	v5 =	vunpack.i.l.bf16.f32 v1;
	v3 =	vadd.f32 v4, v3  }
0x7a: {  	v1 =	vunpack.i.u.bf16.f32 v1;
	v4 =	vunpack.i.u.bf16.f32 v2;
	v2 =	vunpack.i.l.bf16.f32 v2  }
0x7b: {  	v1 =	vadd.f32 v5, v1;
	v2 =	vadd.f32 v2, v4;
	_ =	sdelay $0x1  }
0x7c: {  	v1 =	vadd.f32 v3, v1;
	v0 =	vadd.f32 v0, v2;
	_ =	sdelay $0x1  }
0x7d: {  	v0 =	vadd.f32 v1, v0;
	_ =	sdelay $0x1  }
0x7e: {  	(xrf2) =	vadd.scan.msk.f32 $0xffff, v0;
	_ =	sdelay $0x4  }
0x7f: {  	s14 =	sadd.s32 $0x3, s31;
	s31 =	smov.u32 s0  }
0x80: {  	v0 =	vmov s14;
	_ =	sdelay $0x3  }
0x81: {  	v1, _, _ =	vpop (xrf2)  }
0x82: {  	[tilespmem:v0+s20+$0x0] =	vst.idx.msk vm0, v1  }
0x83: {  	v0 =	vld [tilespmem:s29+$0xFFFFFFA0]  }
0x84: {  	v1 =	vld [tilespmem:s30+$0xFFFFFFA0]  }
0x85: {  	v2 =	vld [tilespmem:s29+$0xFFFFFFB0]  }
0x86: {  	v3 =	vld [tilespmem:s30+$0xFFFFFFB0]  }
0x87: {  	v4 =	vld [tilespmem:s29+$0xFFFFFF80]  }
0x88: {  	v5 =	vld [tilespmem:s30+$0xFFFFFF90]  }
0x89: {  	v6 =	vld [tilespmem:s29+$0xFFFFFF90]  }
0x8a: {  	v7 =	vld [tilespmem:s30+$0xFFFFFF80]  }
0x8b: {  	v2 =	vmul.bf16 v3, v2  }
0x8c: {  	v0 =	vmul.bf16 v1, v0  }
0x8d: {  	v1 =	vunpack.i.u.bf16.f32 v2;
	v2 =	vunpack.i.l.bf16.f32 v2  }
0x8e: {  	v3 =	vmul.bf16 v5, v6;
	v5 =	vunpack.i.u.bf16.f32 v0;
	v0 =	vunpack.i.l.bf16.f32 v0  }
0x8f: {  	v1 =	vadd.f32 v2, v1;
	v4 =	vmul.bf16 v7, v4;
	v0 =	vadd.f32 v0, v5  }
0x90: {  	v2 =	vunpack.i.u.bf16.f32 v3;
	v3 =	vunpack.i.l.bf16.f32 v3  }
0x91: {  	v5 =	vunpack.i.u.bf16.f32 v4;
	v4 =	vunpack.i.l.bf16.f32 v4;
	v2 =	vadd.f32 v3, v2  }
0x92: {  	v3 =	vadd.f32 v4, v5;
	_ =	sdelay $0x1  }
0x93: {  	v0 =	vadd.f32 v1, v0;
	v2 =	vadd.f32 v2, v3;
	_ =	sdelay $0x1  }
0x94: {  	v0 =	vadd.f32 v0, v2;
	_ =	sdelay $0x1  }
0x95: {  	(xrf2) =	vadd.scan.msk.f32 $0xffff, v0;
	_ =	sdelay $0x2  }
0x96: {  	v0 =	vmov s31  }
0x97: {  	v0 =	vand.u32 $0xFFFFFFFC, v0  }
0x98: {  	v0 =	vbroadcast v0, $0x0;
	_ =	sdelay $0x4  }
0x99: {  	v1, _, _ =	vpop (xrf2)  }
0x9a: {  	[tilespmem:v0+s20+$0x0] =	vst.idx.msk vm0, v1  }
0x9b: {  	v0 =	vld [tilespmem:s29+$0xFFFFFFC0]  }
0x9c: {  	v1 =	vld [tilespmem:s30+$0xFFFFFFC0]  }
0x9d: {  	v2 =	vld [tilespmem:s29+$0xFFFFFFD0]  }
0x9e: {  	v3 =	vld [tilespmem:s30+$0xFFFFFFD0]  }
0x9f: {  	v4 =	vld [tilespmem:s30+$0xFFFFFFF0]  }
0xa0: {  	v5 =	vld [tilespmem:s30+$0xFFFFFFE0]  }
0xa1: {  	v0 =	vmul.bf16 v1, v0;
	v1 =	vld [tilespmem:s29+$0xFFFFFFF0]  }
0xa2: {  	v6 =	vld [tilespmem:s29+$0xFFFFFFE0]  }
0xa3: {  	v7 =	vunpack.i.u.bf16.f32 v0;
	v0 =	vunpack.i.l.bf16.f32 v0;
	v2 =	vmul.bf16 v3, v2  }
0xa4: {  	v0 =	vadd.f32 v0, v7  }
0xa5: {  	v3 =	vunpack.i.u.bf16.f32 v2;
	v2 =	vunpack.i.l.bf16.f32 v2  }
0xa6: {  	v2 =	vadd.f32 v2, v3;
	v1 =	vmul.bf16 v4, v1  }
0xa7: {  	v3 =	vmul.bf16 v5, v6  }
0xa8: {  	v4 =	vunpack.i.u.bf16.f32 v1;
	v1 =	vunpack.i.l.bf16.f32 v1  }
0xa9: {  	v5 =	vunpack.i.u.bf16.f32 v3;
	v3 =	vunpack.i.l.bf16.f32 v3;
	v1 =	vadd.f32 v1, v4  }
0xaa: {  	v3 =	vadd.f32 v3, v5;
	_ =	sdelay $0x1  }
0xab: {  	v0 =	vadd.f32 v2, v0;
	v1 =	vadd.f32 v1, v3;
	_ =	sdelay $0x1  }
0xac: {  	v0 =	vadd.f32 v1, v0;
	_ =	sdelay $0x1  }
0xad: {  	(xrf2) =	vadd.scan.msk.f32 $0xffff, v0;
	_ =	sdelay $0x1  }
0xae: {  	s0 =	sadd.s32 $0x1, s31  }
0xaf: {  	v0 =	vmov s0  }
0xb0: {  	v0 =	vand.u32 $0xFFFFFFFD, v0  }
0xb1: {  	v0 =	vbroadcast v0, $0x0;
	_ =	sdelay $0x4  }
0xb2: {  	v1, _, _ =	vpop (xrf2)  }
0xb3: {  	[tilespmem:v0+s20+$0x0] =	vst.idx.msk vm0, v1  }
0xb4: {  	v0 =	vld [tilespmem:s29+$0x0]  }
0xb5: {  	v1 =	vld [tilespmem:s30+$0x0]  }
0xb6: {  	v2 =	vld [tilespmem:s29+$0x10]  }
0xb7: {  	v3 =	vld [tilespmem:s30+$0x30]  }
0xb8: {  	v4 =	vld [tilespmem:s30+$0x20]  }
0xb9: {  	v5 =	vld [tilespmem:s29+$0x30]  }
0xba: {  	v0 =	vmul.bf16 v1, v0;
	v1 =	vld [tilespmem:s29+$0x20]  }
0xbb: {  	v6 =	vld [tilespmem:s30+$0x10]  }
0xbc: {  	v7 =	vunpack.i.u.bf16.f32 v0;
	v0 =	vunpack.i.l.bf16.f32 v0  }
0xbd: {  	v0 =	vadd.f32 v0, v7  }
0xbe: {  	v3 =	vmul.bf16 v3, v5  }
0xbf: {  	v1 =	vmul.bf16 v4, v1  }
0xc0: {  	v2 =	vmul.bf16 v6, v2;
	v4 =	vunpack.i.u.bf16.f32 v3;
	v3 =	vunpack.i.l.bf16.f32 v3  }
0xc1: {  	v5 =	vunpack.i.u.bf16.f32 v1;
	v1 =	vunpack.i.l.bf16.f32 v1;
	v3 =	vadd.f32 v3, v4  }
0xc2: {  	v4 =	vunpack.i.u.bf16.f32 v2;
	v2 =	vunpack.i.l.bf16.f32 v2;
	v1 =	vadd.f32 v1, v5  }
0xc3: {  	v2 =	vadd.f32 v2, v4;
	_ =	sdelay $0x1  }
0xc4: {  	v1 =	vadd.f32 v3, v1;
	v0 =	vadd.f32 v2, v0;
	_ =	sdelay $0x1  }
0xc5: {  	v0 =	vadd.f32 v1, v0;
	_ =	sdelay $0x1  }
0xc6: {  	(xrf2) =	vadd.scan.msk.f32 $0xffff, v0;
	_ =	sdelay $0x1  }
0xc7: {  	s0 =	sadd.s32 $0x2, s31  }
0xc8: {  	v0 =	vmov s0  }
0xc9: {  	v0 =	vand.u32 $0xFFFFFFFE, v0  }
0xca: {  	v0 =	vbroadcast v0, $0x0;
	_ =	sdelay $0x4  }
0xcb: {  	v1, _, _ =	vpop (xrf2)  }
0xcc: {  	[tilespmem:v0+s20+$0x0] =	vst.idx.msk vm0, v1  }
0xcd: {  	v0 =	vld [tilespmem:s30+$0x50]  }
0xce: {  	v4 =	vld [tilespmem:s30+$0x70]  }
0xcf: {  	v1 =	vld [tilespmem:s29+$0x50]  }
0xd0: {  	v5 =	vld [tilespmem:s29+$0x60]  }
0xd1: {  	v6 =	vld [tilespmem:s30+$0x60]  }
0xd2: {  	v7 =	vld [tilespmem:s29+$0x70]  }
.Ltmp0:
0xd3: {  	v2 =	vld [tilespmem:s30+$0x40];
	(pc) =	sbr.rel @p0 .LBB2_3-.Ltmp0, $3  }
0xd4: {  	v3 =	vld [tilespmem:s29+$0x40];
	v0 =	vmul.bf16 v0, v1;
	_ =	sdelay $0x1  }
0xd5: {  	v8 =	vunpack.i.u.bf16.f32 v0;
	v0 =	vunpack.i.l.bf16.f32 v0;
	v1 =	vmul.bf16 v6, v5  }
0xd6: {  	v0 =	vadd.f32 v0, v8;
	v4 =	vmul.bf16 v4, v7  }
0xd7: {  	_ = 	snop  }
0xd8: {  	v5 =	vunpack.i.l.bf16.f32 v1;
	v2 =	vmul.bf16 v2, v3  }
0xd9: {  	v1 =	vunpack.i.u.bf16.f32 v1;
	v3 =	vunpack.i.u.bf16.f32 v4;
	v4 =	vunpack.i.l.bf16.f32 v4  }
0xda: {  	v3 =	vadd.f32 v4, v3;
	v4 =	vunpack.i.u.bf16.f32 v2;
	v2 =	vunpack.i.l.bf16.f32 v2  }
0xdb: {  	v1 =	vadd.f32 v5, v1;
	v2 =	vadd.f32 v2, v4;
	_ =	sdelay $0x1  }
0xdc: {  	v1 =	vadd.f32 v3, v1;
	v0 =	vadd.f32 v0, v2;
	_ =	sdelay $0x1  }
0xdd: {  	v0 =	vadd.f32 v1, v0;
	_ =	sdelay $0x1  }
0xde: {  	(xrf2) =	vadd.scan.msk.f32 $0xffff, v0;
	_ =	sdelay $0x4  }
0xdf: {  	s0 =	sadd.s32 $0x3, s31  }
0xe0: {  	v0 =	vmov s0;
	_ =	sdelay $0x3  }
0xe1: {  	p0 =	seq.s32 s26, $0x27;
	v1, _, _ =	vpop (xrf2)  }
0xe2: {  	s1 =	simm.s32 @!p0 $0x80;
	s14 =	simm.s32 @!p0 $0x5000;
	s0 =	sadd.s32 @!p0 $0x100, s28;
	[tilespmem:v0+s20+$0x0] =	vst.idx.msk vm0, v1  }
0xe3: {  	[tilespmem:s14], [sflag:$0x1] =	stream.indirect.gather @!p0 [hbm4b:s4+s1], $0x40, s0, s1, $0xb8;
	[tilespmem:$0xD100] =	vst v63  }
0xe4: {  	s0 =	sadd.s32 @!p0 $0x2900, s28;
	s14 =	simm.s32 @!p0 $0x9000  }
0xe5: {  	[tilespmem:s14], [sflag:$0x1] =	stream.indirect.gather @!p0 [hbm4b:s5+s1], $0x40, s0, s1, $0xb8;
	[tilespmem:$0xD100] =	vst v63  }
0xe6: {  	s14 =	sadd.s32 s3, s28  }
0xe7: {  	s0 =	sshrl.u32 s14, $0x3  }
0xe8: {  	s0 =	sadd.s32 s6, s0  }
0xe9: {  	[hbm4b:s0+s2] =	stream.linear.scatter [tilespmem:s20], [sflag:$0x3], $0x80, $0x38;
	[tilespmem:$0xD100] =	vst v63  }
0xea: {  	_ =	swait.ge [sflag:s21], $0x2000  }
0xeb: {  	[sflag:s21] =	ssyncset.done $0x0  }
0xec: {  	[sflag:s21] =	ssyncadd.s32 $0xFFFFE000  }
0xed: {  	_ =	swait.ge [sflag:s21], $0x2000  }
0xee: {  	[sflag:s21] =	ssyncset.done $0x0  }
0xef: {  	s0 =	simm.s32 @!p1 $0x4;
	[sflag:s21] =	ssyncadd.s32 $0xFFFFE000  }
0xf0: {  	_ =	swait.ge @!p1 [sflag:s0], $0x80  }
0xf1: {  	[sflag:s0] =	ssyncset.done @!p1 $0x0  }
0xf2: {  	s29 =	simm.s32 $0x7080;
	[sflag:s0] =	ssyncadd.s32 @!p1 $0xFFFFFF80  }
0xf3: {  	s30 =	simm.s32 $0xB080;
	v0 =	vld [tilespmem:s29+$0xFFFFFFA0]  }
0xf4: {  	v1 =	vld [tilespmem:s30+$0xFFFFFFA0]  }
0xf5: {  	v2 =	vld [tilespmem:s29+$0xFFFFFFB0]  }
0xf6: {  	v3 =	vld [tilespmem:s30+$0xFFFFFFB0]  }
0xf7: {  	v4 =	vld [tilespmem:s29+$0xFFFFFF80]  }
0xf8: {  	v5 =	vld [tilespmem:s30+$0xFFFFFF90]  }
0xf9: {  	v6 =	vld [tilespmem:s29+$0xFFFFFF90]  }
0xfa: {  	v7 =	vld [tilespmem:s30+$0xFFFFFF80];
	_ =	sdelay $0x2  }
0xfb: {  	v2 =	vmul.bf16 v3, v2  }
0xfc: {  	v0 =	vmul.bf16 v1, v0  }
0xfd: {  	v3 =	vmul.bf16 v5, v6;
	v4 =	vmul.bf16 v7, v4;
	v1 =	vunpack.i.u.bf16.f32 v2  }
0xfe: {  	v2 =	vunpack.i.l.bf16.f32 v2;
	v5 =	vunpack.i.u.bf16.f32 v0;
	v0 =	vunpack.i.l.bf16.f32 v0  }
0xff: {  	v0 =	vadd.f32 v0, v5;
	v1 =	vadd.f32 v2, v1;
	v2 =	vunpack.i.u.bf16.f32 v3  }
0x100: {  	v3 =	vunpack.i.l.bf16.f32 v3;
	v5 =	vunpack.i.u.bf16.f32 v4;
	v4 =	vunpack.i.l.bf16.f32 v4  }
0x101: {  	v2 =	vadd.f32 v3, v2;
	v3 =	vadd.f32 v4, v5;
	_ =	sdelay $0x1  }
0x102: {  	v0 =	vadd.f32 v1, v0;
	v2 =	vadd.f32 v2, v3;
	_ =	sdelay $0x1  }
0x103: {  	v0 =	vadd.f32 v0, v2;
	_ =	sdelay $0x1  }
0x104: {  	(xrf2) =	vadd.scan.msk.f32 $0xffff, v0;
	_ =	sdelay $0x1  }
0x105: {  	s31 =	simm.s32 $0x0  }
0x106: {  	v0 =	vmov s31  }
0x107: {  	v0 =	vand.u32 $0xFFFFFFFC, v0  }
0x108: {  	v0 =	vbroadcast v0, $0x0;
	_ =	sdelay $0x4  }
0x109: {  	v1, _, _ =	vpop (xrf2)  }
0x10a: {  	[tilespmem:v0+s22+$0x0] =	vst.idx.msk vm0, v1  }
0x10b: {  	v0 =	vld [tilespmem:s29+$0xFFFFFFC0]  }
0x10c: {  	v1 =	vld [tilespmem:s30+$0xFFFFFFC0]  }
0x10d: {  	v2 =	vld [tilespmem:s29+$0xFFFFFFD0]  }
0x10e: {  	v3 =	vld [tilespmem:s30+$0xFFFFFFD0]  }
0x10f: {  	v4 =	vld [tilespmem:s30+$0xFFFFFFF0]  }
0x110: {  	v5 =	vld [tilespmem:s30+$0xFFFFFFE0]  }
0x111: {  	v6 =	vld [tilespmem:s29+$0xFFFFFFF0]  }
0x112: {  	v7 =	vld [tilespmem:s29+$0xFFFFFFE0];
	_ =	sdelay $0x2  }
0x113: {  	v0 =	vmul.bf16 v1, v0  }
0x114: {  	v1 =	vmul.bf16 v3, v2  }
0x115: {  	v3 =	vmul.bf16 v4, v6;
	v5 =	vmul.bf16 v5, v7;
	v2 =	vunpack.i.u.bf16.f32 v0  }
0x116: {  	v0 =	vunpack.i.l.bf16.f32 v0;
	v4 =	vunpack.i.u.bf16.f32 v1;
	v1 =	vunpack.i.l.bf16.f32 v1  }
0x117: {  	v0 =	vadd.f32 v0, v2;
	v1 =	vadd.f32 v1, v4;
	v2 =	vunpack.i.u.bf16.f32 v3  }
0x118: {  	v3 =	vunpack.i.l.bf16.f32 v3;
	v4 =	vunpack.i.u.bf16.f32 v5;
	v5 =	vunpack.i.l.bf16.f32 v5  }
0x119: {  	v2 =	vadd.f32 v3, v2;
	v3 =	vadd.f32 v5, v4;
	_ =	sdelay $0x1  }
0x11a: {  	v0 =	vadd.f32 v1, v0;
	v1 =	vadd.f32 v2, v3;
	_ =	sdelay $0x1  }
0x11b: {  	v0 =	vadd.f32 v1, v0;
	_ =	sdelay $0x1  }
0x11c: {  	(xrf2) =	vadd.scan.msk.f32 $0xffff, v0;
	_ =	sdelay $0x1  }
0x11d: {  	s1 =	simm.s32 $0x1  }
0x11e: {  	v0 =	vmov s1  }
0x11f: {  	v0 =	vand.u32 $0xFFFFFFFD, v0  }
0x120: {  	v0 =	vbroadcast v0, $0x0;
	_ =	sdelay $0x4  }
0x121: {  	v1, _, _ =	vpop (xrf2)  }
0x122: {  	[tilespmem:v0+s22+$0x0] =	vst.idx.msk vm0, v1  }
0x123: {  	v0 =	vld [tilespmem:s29+$0x0]  }
0x124: {  	v1 =	vld [tilespmem:s30+$0x0]  }
0x125: {  	v2 =	vld [tilespmem:s29+$0x10]  }
0x126: {  	v3 =	vld [tilespmem:s30+$0x30]  }
0x127: {  	v4 =	vld [tilespmem:s30+$0x20]  }
0x128: {  	v5 =	vld [tilespmem:s29+$0x30]  }
0x129: {  	v6 =	vld [tilespmem:s29+$0x20]  }
0x12a: {  	v7 =	vld [tilespmem:s30+$0x10];
	_ =	sdelay $0x2  }
0x12b: {  	v0 =	vmul.bf16 v1, v0  }
0x12c: {  	v4 =	vmul.bf16 v4, v6  }
0x12d: {  	v1 =	vmul.bf16 v3, v5;
	v2 =	vmul.bf16 v7, v2;
	v3 =	vunpack.i.u.bf16.f32 v0  }
0x12e: {  	v0 =	vunpack.i.l.bf16.f32 v0;
	v5 =	vunpack.i.u.bf16.f32 v4;
	v4 =	vunpack.i.l.bf16.f32 v4  }
0x12f: {  	v0 =	vadd.f32 v0, v3;
	v3 =	vunpack.i.u.bf16.f32 v1;
	v1 =	vunpack.i.l.bf16.f32 v1  }
0x130: {  	v1 =	vadd.f32 v1, v3;
	v3 =	vunpack.i.u.bf16.f32 v2;
	v2 =	vunpack.i.l.bf16.f32 v2  }
0x131: {  	v4 =	vadd.f32 v4, v5;
	v2 =	vadd.f32 v2, v3;
	_ =	sdelay $0x1  }
0x132: {  	v1 =	vadd.f32 v1, v4;
	v0 =	vadd.f32 v2, v0;
	_ =	sdelay $0x1  }
0x133: {  	v0 =	vadd.f32 v1, v0;
	_ =	sdelay $0x1  }
0x134: {  	(xrf2) =	vadd.scan.msk.f32 $0xffff, v0;
	_ =	sdelay $0x1  }
0x135: {  	s14 =	simm.s32 $0x2  }
0x136: {  	v0 =	vmov s14  }
0x137: {  	v0 =	vand.u32 $0xFFFFFFFE, v0  }
0x138: {  	v0 =	vbroadcast v0, $0x0;
	_ =	sdelay $0x4  }
0x139: {  	v1, _, _ =	vpop (xrf2)  }
0x13a: {  	[tilespmem:v0+s22+$0x0] =	vst.idx.msk vm0, v1  }
0x13b: {  	v0 =	vld [tilespmem:s30+$0x50]  }
0x13c: {  	v4 =	vld [tilespmem:s30+$0x70]  }
0x13d: {  	v1 =	vld [tilespmem:s29+$0x50]  }
0x13e: {  	v5 =	vld [tilespmem:s29+$0x60]  }
0x13f: {  	v6 =	vld [tilespmem:s30+$0x60]  }
0x140: {  	v7 =	vld [tilespmem:s29+$0x70]  }
0x141: {  	v2 =	vld [tilespmem:s30+$0x40]  }
0x142: {  	v3 =	vld [tilespmem:s29+$0x40];
	v0 =	vmul.bf16 v0, v1;
	_ =	sdelay $0x1  }
0x143: {  	v8 =	vunpack.i.u.bf16.f32 v0;
	v0 =	vunpack.i.l.bf16.f32 v0  }
0x144: {  	s1 =	simm.s32 $0x4;
	v1 =	vmul.bf16 v6, v5;
	v4 =	vmul.bf16 v4, v7;
	v0 =	vadd.f32 v0, v8  }
.LBB2_5:
0x145: {  	p1 =	slt.u32 s1, $0x7C;
	s30 =	sadd.s32 $0x100, s30;
	s29 =	sadd.s32 $0x100, s29  }
0x146: {  	s0 =	smov.u32 s1;
	s1 =	sadd.s32 $0x4, s1;
	v2 =	vmul.bf16 v2, v3;
	v3 =	vunpack.i.u.bf16.f32 v4;
	v4 =	vunpack.i.l.bf16.f32 v4  }
0x147: {  	v5 =	vunpack.i.l.bf16.f32 v1;
	v3 =	vadd.f32 v4, v3  }
0x148: {  	v1 =	vunpack.i.u.bf16.f32 v1;
	v4 =	vunpack.i.u.bf16.f32 v2;
	v2 =	vunpack.i.l.bf16.f32 v2  }
0x149: {  	v1 =	vadd.f32 v5, v1;
	v2 =	vadd.f32 v2, v4;
	_ =	sdelay $0x1  }
0x14a: {  	v1 =	vadd.f32 v3, v1;
	v0 =	vadd.f32 v0, v2;
	_ =	sdelay $0x1  }
0x14b: {  	v0 =	vadd.f32 v1, v0;
	_ =	sdelay $0x1  }
0x14c: {  	(xrf2) =	vadd.scan.msk.f32 $0xffff, v0;
	_ =	sdelay $0x4  }
0x14d: {  	s14 =	sadd.s32 $0x3, s31;
	s31 =	smov.u32 s0  }
0x14e: {  	v0 =	vmov s14;
	_ =	sdelay $0x3  }
0x14f: {  	v1, _, _ =	vpop (xrf2)  }
0x150: {  	[tilespmem:v0+s22+$0x0] =	vst.idx.msk vm0, v1  }
0x151: {  	v0 =	vld [tilespmem:s29+$0xFFFFFFA0]  }
0x152: {  	v1 =	vld [tilespmem:s30+$0xFFFFFFA0]  }
0x153: {  	v2 =	vld [tilespmem:s29+$0xFFFFFFB0]  }
0x154: {  	v3 =	vld [tilespmem:s30+$0xFFFFFFB0]  }
0x155: {  	v4 =	vld [tilespmem:s29+$0xFFFFFF80]  }
0x156: {  	v5 =	vld [tilespmem:s30+$0xFFFFFF90]  }
0x157: {  	v6 =	vld [tilespmem:s29+$0xFFFFFF90]  }
0x158: {  	v7 =	vld [tilespmem:s30+$0xFFFFFF80]  }
0x159: {  	v2 =	vmul.bf16 v3, v2  }
0x15a: {  	v0 =	vmul.bf16 v1, v0  }
0x15b: {  	v1 =	vunpack.i.u.bf16.f32 v2;
	v2 =	vunpack.i.l.bf16.f32 v2  }
0x15c: {  	v3 =	vmul.bf16 v5, v6;
	v5 =	vunpack.i.u.bf16.f32 v0;
	v0 =	vunpack.i.l.bf16.f32 v0  }
0x15d: {  	v1 =	vadd.f32 v2, v1;
	v4 =	vmul.bf16 v7, v4;
	v0 =	vadd.f32 v0, v5  }
0x15e: {  	v2 =	vunpack.i.u.bf16.f32 v3;
	v3 =	vunpack.i.l.bf16.f32 v3  }
0x15f: {  	v5 =	vunpack.i.u.bf16.f32 v4;
	v4 =	vunpack.i.l.bf16.f32 v4;
	v2 =	vadd.f32 v3, v2  }
0x160: {  	v3 =	vadd.f32 v4, v5;
	_ =	sdelay $0x1  }
0x161: {  	v0 =	vadd.f32 v1, v0;
	v2 =	vadd.f32 v2, v3;
	_ =	sdelay $0x1  }
0x162: {  	v0 =	vadd.f32 v0, v2;
	_ =	sdelay $0x1  }
0x163: {  	(xrf2) =	vadd.scan.msk.f32 $0xffff, v0;
	_ =	sdelay $0x2  }
0x164: {  	v0 =	vmov s31  }
0x165: {  	v0 =	vand.u32 $0xFFFFFFFC, v0  }
0x166: {  	v0 =	vbroadcast v0, $0x0;
	_ =	sdelay $0x4  }
0x167: {  	v1, _, _ =	vpop (xrf2)  }
0x168: {  	[tilespmem:v0+s22+$0x0] =	vst.idx.msk vm0, v1  }
0x169: {  	v0 =	vld [tilespmem:s29+$0xFFFFFFC0]  }
0x16a: {  	v1 =	vld [tilespmem:s30+$0xFFFFFFC0]  }
0x16b: {  	v2 =	vld [tilespmem:s29+$0xFFFFFFD0]  }
0x16c: {  	v3 =	vld [tilespmem:s30+$0xFFFFFFD0]  }
0x16d: {  	v4 =	vld [tilespmem:s30+$0xFFFFFFF0]  }
0x16e: {  	v5 =	vld [tilespmem:s30+$0xFFFFFFE0]  }
0x16f: {  	v0 =	vmul.bf16 v1, v0;
	v1 =	vld [tilespmem:s29+$0xFFFFFFF0]  }
0x170: {  	v6 =	vld [tilespmem:s29+$0xFFFFFFE0]  }
0x171: {  	v7 =	vunpack.i.u.bf16.f32 v0;
	v0 =	vunpack.i.l.bf16.f32 v0;
	v2 =	vmul.bf16 v3, v2  }
0x172: {  	v0 =	vadd.f32 v0, v7  }
0x173: {  	v3 =	vunpack.i.u.bf16.f32 v2;
	v2 =	vunpack.i.l.bf16.f32 v2  }
0x174: {  	v2 =	vadd.f32 v2, v3;
	v1 =	vmul.bf16 v4, v1  }
0x175: {  	v3 =	vmul.bf16 v5, v6  }
0x176: {  	v4 =	vunpack.i.u.bf16.f32 v1;
	v1 =	vunpack.i.l.bf16.f32 v1  }
0x177: {  	v5 =	vunpack.i.u.bf16.f32 v3;
	v3 =	vunpack.i.l.bf16.f32 v3;
	v1 =	vadd.f32 v1, v4  }
0x178: {  	v3 =	vadd.f32 v3, v5;
	_ =	sdelay $0x1  }
0x179: {  	v0 =	vadd.f32 v2, v0;
	v1 =	vadd.f32 v1, v3;
	_ =	sdelay $0x1  }
0x17a: {  	v0 =	vadd.f32 v1, v0;
	_ =	sdelay $0x1  }
0x17b: {  	(xrf2) =	vadd.scan.msk.f32 $0xffff, v0;
	_ =	sdelay $0x1  }
0x17c: {  	s0 =	sadd.s32 $0x1, s31  }
0x17d: {  	v0 =	vmov s0  }
0x17e: {  	v0 =	vand.u32 $0xFFFFFFFD, v0  }
0x17f: {  	v0 =	vbroadcast v0, $0x0;
	_ =	sdelay $0x4  }
0x180: {  	v1, _, _ =	vpop (xrf2)  }
0x181: {  	[tilespmem:v0+s22+$0x0] =	vst.idx.msk vm0, v1  }
0x182: {  	v0 =	vld [tilespmem:s29+$0x0]  }
0x183: {  	v1 =	vld [tilespmem:s30+$0x0]  }
0x184: {  	v2 =	vld [tilespmem:s29+$0x10]  }
0x185: {  	v3 =	vld [tilespmem:s30+$0x30]  }
0x186: {  	v4 =	vld [tilespmem:s30+$0x20]  }
0x187: {  	v5 =	vld [tilespmem:s29+$0x30]  }
0x188: {  	v0 =	vmul.bf16 v1, v0;
	v1 =	vld [tilespmem:s29+$0x20]  }
0x189: {  	v6 =	vld [tilespmem:s30+$0x10]  }
0x18a: {  	v7 =	vunpack.i.u.bf16.f32 v0;
	v0 =	vunpack.i.l.bf16.f32 v0  }
0x18b: {  	v0 =	vadd.f32 v0, v7  }
0x18c: {  	v3 =	vmul.bf16 v3, v5  }
0x18d: {  	v1 =	vmul.bf16 v4, v1  }
0x18e: {  	v2 =	vmul.bf16 v6, v2;
	v4 =	vunpack.i.u.bf16.f32 v3;
	v3 =	vunpack.i.l.bf16.f32 v3  }
0x18f: {  	v5 =	vunpack.i.u.bf16.f32 v1;
	v1 =	vunpack.i.l.bf16.f32 v1;
	v3 =	vadd.f32 v3, v4  }
0x190: {  	v4 =	vunpack.i.u.bf16.f32 v2;
	v2 =	vunpack.i.l.bf16.f32 v2;
	v1 =	vadd.f32 v1, v5  }
0x191: {  	v2 =	vadd.f32 v2, v4;
	_ =	sdelay $0x1  }
0x192: {  	v1 =	vadd.f32 v3, v1;
	v0 =	vadd.f32 v2, v0;
	_ =	sdelay $0x1  }
0x193: {  	v0 =	vadd.f32 v1, v0;
	_ =	sdelay $0x1  }
0x194: {  	(xrf2) =	vadd.scan.msk.f32 $0xffff, v0;
	_ =	sdelay $0x1  }
0x195: {  	s0 =	sadd.s32 $0x2, s31  }
0x196: {  	v0 =	vmov s0  }
0x197: {  	v0 =	vand.u32 $0xFFFFFFFE, v0  }
0x198: {  	v0 =	vbroadcast v0, $0x0;
	_ =	sdelay $0x4  }
0x199: {  	v1, _, _ =	vpop (xrf2)  }
0x19a: {  	[tilespmem:v0+s22+$0x0] =	vst.idx.msk vm0, v1  }
0x19b: {  	v0 =	vld [tilespmem:s30+$0x50]  }
0x19c: {  	v4 =	vld [tilespmem:s30+$0x70]  }
0x19d: {  	v1 =	vld [tilespmem:s29+$0x50]  }
0x19e: {  	v5 =	vld [tilespmem:s29+$0x60]  }
0x19f: {  	v6 =	vld [tilespmem:s30+$0x60]  }
0x1a0: {  	v7 =	vld [tilespmem:s29+$0x70]  }
.Ltmp1:
0x1a1: {  	v2 =	vld [tilespmem:s30+$0x40];
	(pc) =	sbr.rel @p1 .LBB2_5-.Ltmp1, $3  }
0x1a2: {  	v3 =	vld [tilespmem:s29+$0x40];
	v0 =	vmul.bf16 v0, v1;
	_ =	sdelay $0x1  }
0x1a3: {  	v8 =	vunpack.i.u.bf16.f32 v0;
	v0 =	vunpack.i.l.bf16.f32 v0;
	v1 =	vmul.bf16 v6, v5  }
0x1a4: {  	v0 =	vadd.f32 v0, v8;
	v4 =	vmul.bf16 v4, v7  }
0x1a5: {  	_ = 	snop  }
0x1a6: {  	v5 =	vunpack.i.l.bf16.f32 v1;
	v2 =	vmul.bf16 v2, v3  }
0x1a7: {  	v61 =	vunpack.i.u.bf16.f32 v1;
	v58 =	vunpack.i.u.bf16.f32 v4;
	v59 =	vunpack.i.l.bf16.f32 v4  }
0x1a8: {  	v1 =	vadd.f32 v5, v61;
	v60 =	vunpack.i.u.bf16.f32 v2;
	v2 =	vunpack.i.l.bf16.f32 v2  }
0x1a9: {  	v3 =	vadd.f32 v59, v58;
	v2 =	vadd.f32 v2, v60;
	_ =	sdelay $0x1  }
0x1aa: {  	v1 =	vadd.f32 v3, v1;
	v0 =	vadd.f32 v0, v2;
	_ =	sdelay $0x1  }
0x1ab: {  	v0 =	vadd.f32 v1, v0;
	_ =	sdelay $0x1  }
0x1ac: {  	(xrf2) =	vadd.scan.msk.f32 $0xffff, v0;
	_ =	sdelay $0x4  }
0x1ad: {  	s0 =	sadd.s32 $0x3, s31  }
0x1ae: {  	v62 =	vmov s0;
	_ =	sdelay $0x3  }
0x1af: {  	v63, _, _ =	vpop (xrf2)  }
0x1b0: {  	s1 =	simm.s32 @!p0 $0x80;
	s14 =	simm.s32 @!p0 $0x7000;
	s0 =	sadd.s32 @!p0 $0x180, s28;
	[tilespmem:v62+s22+$0x0] =	vst.idx.msk vm0, v63  }
0x1b1: {  	[tilespmem:s14], [sflag:$0x2] =	stream.indirect.gather @!p0 [hbm4b:s4+s1], $0x40, s0, s1, $0xb8;
	[tilespmem:$0xD100] =	vst v63  }
0x1b2: {  	s26 =	sadd.s32 $0x1, s26;
	s0 =	sadd.s32 @!p0 $0x2980, s28;
	s14 =	simm.s32 @!p0 $0xB000  }
0x1b3: {  	[tilespmem:s14], [sflag:$0x2] =	stream.indirect.gather @!p0 [hbm4b:s5+s1], $0x40, s0, s1, $0xb8;
	[tilespmem:$0xD100] =	vst v63  }
0x1b4: {  	p0 =	sne.s32 s26, $0x28  }
.Ltmp2:
0x1b5: {  	_ = 	snop;
	(pc) =	sbr.rel @p0 .LBB2_2-.Ltmp2, $4  }
0x1b6: {  	s31 =	sadd.s32 s28, s9  }
0x1b7: {  	s0 =	sshrl.u32 s31, $0x3  }
0x1b8: {  	s0 =	sadd.s32 s6, s0  }
0x1b9: {  	[hbm4b:s0+s2] =	stream.linear.scatter [tilespmem:s22], [sflag:$0x4], $0x80, $0x38;
	[tilespmem:$0xD100] =	vst v63  }
0x1ba: {  	s25 =	sadd.s32 $0x1, s25  }
0x1bb: {  	_ =	swait.ge [sflag:s23], $0x80;
	p0 =	sne.s32 s25, s10  }
.Ltmp3:
0x1bc: {  	[sflag:s23] =	ssyncset.done $0x0;
	(pc) =	sbr.rel @p0 .LBB2_1-.Ltmp3, $4  }
0x1bd: {  	[sflag:s23] =	ssyncadd.s32 $0xFFFFFF80  }
0x1be: {  	_ =	swait.ge [sflag:s24], $0x80  }
0x1bf: {  	[sflag:s24] =	ssyncset.done $0x0  }
0x1c0: {  	[sflag:s24] =	ssyncadd.s32 $0xFFFFFF80  }
0x1c1: {  	_ =	sfence.sel $0x180000  }
0x1c2: {  	[bflag:$0x0] =	sbarrier.arrive $0xFFFF  }
0x1c3: {  	_ =	strace $0x90000047  }
0x1c4: {  	s0 =	stileid.u32;
	[bflag:$0x2] =	sbarrier.arrive $0xFFFF  }
0x1c5: {  	p0 =	sne.s32 s0, $0x0;
	s0 =	rddreg [dreg:$0x1]  }
0x1c6: {  	s0 =	sadd.s32 @!p0 $0x100000, s0  }
0x1c7: {  	[sflag:s0] =	ssyncadd.tile.s32 @!p0 $0x1;
	_ =	shalt  }
.Lfunc_end2:
_tile_overlayer_lowered:
.L_overlay_start_2:
0x1c8: {  	(tag) =	ssettag $0x2  }
0x1c9: {  	s0 =	rddreg [dreg:$0x0];
	s2 =	stileid.u32  }
0x1ca: {  	s1 =	rddreg [dreg:$0x1];
	p0 =	sne.s32 s2, $0x0  }
0x1cb: {  	s3 =	rddreg [dreg:$0x2];
	[bflag:$0x3] =	sbarrier.arrive $0xFFFF;
	s2 =	simm.s32 @!p0 $0x1C05  }
0x1cc: {  	[timem:s3], [sflag:s2] =	dma.local @!p0 [hbm:s0], s1  }
0x1cd: {  	s0 =	simm.s32 @!p0 $0x5  }
0x1ce: {  	_ =	swait.ge @!p0 [sflag:s0], s1  }
0x1cf: {  	s1 =	ssub.s32 @!p0 $0x0, s1;
	[sflag:s0] =	ssyncset.done @!p0 $0x0  }
0x1d0: {  	[sflag:s0] =	ssyncadd.s32 @!p0 s1  }
0x1d1: {  	[bflag:$0x3] =	sbarrier.arrive $0xFFFF  }
0x1d2: {  	_ =	shalt  }

</sc_bundles>
